<compile_context>
chip_gen: v7x
topology: tpu7x:2x2x1
jax: 0.10.2.dev20260603
libtpu: 0.0.44.dev20260713+nightly
codegen_flags: <defaults>
</compile_context>

<pallas_src>
import functools

import numpy as np
import jax
import jax.numpy as jnp
from jax import lax
from jax.experimental import pallas as pl
from jax.experimental.pallas import tpu as pltpu
from jax.experimental.pallas import tpu_sc as plsc

_B, _F0, _F1 = 1024, 10, 25
_N_NODES, _D = 100000, 128
_NC, _NS = 2, 16
_NW = _NC * _NS

_R2_PER_TILE = (_B * _F0 * _F1) // _NW
_CH2, _CW2 = 100, 80
_SEG2_PER_TILE = _R2_PER_TILE // _F1
_R1_PER_TILE = (_B * _F0) // _NW
_CH1, _CW1 = 4, 80
_SEG1_PER_TILE = _R1_PER_TILE // _F0
_R0_PER_TILE = _B // _NW

_SEG2 = np.asarray(
    ((np.arange(_B * _F0 * _F1) // _F1) % (_NS * _SEG2_PER_TILE))
    .reshape(_NW, _CH2, _CW2), np.int32)
_SEG1 = np.asarray(
    ((np.arange(_B * _F0) // _F0) % (_NS * _SEG1_PER_TILE))
    .reshape(_NW, _CH1, _CW1), np.int32)

_f32 = jnp.float32


@functools.partial(
    pl.kernel,
    out_type=(
        jax.ShapeDtypeStruct((_B * _F0, _D), _f32),
        jax.ShapeDtypeStruct((_B * _F0, _D), _f32),
        jax.ShapeDtypeStruct((_B, _D), _f32),
        jax.ShapeDtypeStruct((_B, _D), _f32),
    ),
    mesh=plsc.VectorSubcoreMesh(
        core_axis_name="c", subcore_axis_name="s",
        num_cores=_NC, num_subcores=_NS),
    scratch_types=[
        pltpu.VMEM((_CH2, _CW2), jnp.int32),
        pltpu.VMEM((_CH2, _CW2), jnp.int32),
        pltpu.VMEM((_CH1, _CW1), jnp.int32),
        pltpu.VMEM((_CH1, _CW1), jnp.int32),
        pltpu.VMEM((_R0_PER_TILE,), jnp.int32),
        pltpu.VMEM((_CW2, _D), _f32),
        pltpu.VMEM((_CW2, _D), _f32),
        pltpu.VMEM((_CW2, _D), _f32),
        pltpu.VMEM((_CW2, _D), _f32),
        pltpu.VMEM((_CW2, _D), _f32),
        pltpu.VMEM((_R0_PER_TILE, _D), _f32),
        pltpu.VMEM_SHARED((_NS * _SEG2_PER_TILE, _D), _f32),
        pltpu.VMEM_SHARED((_NS * _SEG1_PER_TILE, _D), _f32),
        pltpu.SemaphoreType.DMA,
        pltpu.SemaphoreType.DMA,
        pltpu.SemaphoreType.DMA,
    ],
)
def _sc_gather(feat, idx2, seg2, idx1, seg1, idx0, zeros,
               sum2, g1, sum1, g0,
               idx2v, seg2v, idx1v, seg1v, idx0v,
               buf_a, buf_b, buf_c, buf_d, buf_e, buf0,
               acc2, acc1, gsem, ssem, csem):
    c = lax.axis_index("c")
    s = lax.axis_index("s")
    t = c * _NS + s

    pltpu.sync_copy(idx2.at[t], idx2v)
    pltpu.sync_copy(seg2.at[t], seg2v)
    pltpu.sync_copy(idx1.at[t], idx1v)
    pltpu.sync_copy(seg1.at[t], seg1v)
    pltpu.sync_copy(idx0.at[t], idx0v)

    pltpu.async_copy(feat.at[idx0v], buf0, csem)

    pltpu.sync_copy(zeros.at[pl.ds(s * _SEG2_PER_TILE, _SEG2_PER_TILE)],
                    acc2.at[pl.ds(s * _SEG2_PER_TILE, _SEG2_PER_TILE)])
    pltpu.sync_copy(zeros.at[pl.ds(s * _SEG1_PER_TILE, _SEG1_PER_TILE)],
                    acc1.at[pl.ds(s * _SEG1_PER_TILE, _SEG1_PER_TILE)])

    bufs = (buf_a, buf_b, buf_c, buf_d, buf_e)
    nbuf = len(bufs)
    for j in range(nbuf - 1):
        pltpu.async_copy(feat.at[idx2v.at[j]], bufs[j], gsem)

    def quad(m, carry):
        for b in range(nbuf):
            k = nbuf * m + b
            cur = bufs[b]
            prv = bufs[(b - 1) % nbuf]
            pltpu.make_async_copy(feat.at[idx2v.at[k]], cur, gsem).wait()
            pltpu.async_copy(cur, acc2.at[seg2v.at[k]], ssem, add=True)
            @pl.when(k >= 1)
            def _():
                pltpu.make_async_copy(
                    prv, acc2.at[seg2v.at[k - 1]], ssem).wait()
            @pl.when(k + nbuf - 1 < _CH2)
            def _():
                pltpu.async_copy(feat.at[idx2v.at[k + nbuf - 1]], prv, gsem)
        return carry
    lax.fori_loop(0, _CH2 // nbuf, quad, 0)
    pltpu.make_async_copy(bufs[(_CH2 - 1) % nbuf],
                          acc2.at[seg2v.at[_CH2 - 1]], ssem).wait()

    for j in range(_CH1):
        pltpu.async_copy(feat.at[idx1v.at[j]], bufs[j], gsem)
    for j in range(_CH1):
        pltpu.make_async_copy(feat.at[idx1v.at[j]], bufs[j], gsem).wait()
        pltpu.async_copy(
            bufs[j], g1.at[pl.ds(t * _R1_PER_TILE + j * _CW1, _CW1)], ssem)
        pltpu.sync_copy(bufs[j], acc1.at[seg1v.at[j]], add=True)
    for j in range(_CH1):
        pltpu.make_async_copy(
            bufs[j], g1.at[pl.ds(t * _R1_PER_TILE + j * _CW1, _CW1)],
            ssem).wait()

    pltpu.make_async_copy(feat.at[idx0v], buf0, csem).wait()
    pltpu.sync_copy(buf0, g0.at[pl.ds(t * _R0_PER_TILE, _R0_PER_TILE)])

    pltpu.sync_copy(acc2.at[pl.ds(s * _SEG2_PER_TILE, _SEG2_PER_TILE)],
                    sum2.at[pl.ds(t * _SEG2_PER_TILE, _SEG2_PER_TILE)])
    pltpu.sync_copy(acc1.at[pl.ds(s * _SEG1_PER_TILE, _SEG1_PER_TILE)],
                    sum1.at[pl.ds(t * _SEG1_PER_TILE, _SEG1_PER_TILE)])



def _tc_body(g0, g13, sum1, sum23, ws0, wn0, b0, ws1, wn1, b1, out):
    f32 = jnp.float32
    ws0v = ws0[...]
    b0v = b0[...]
    wn0v = wn0[...]
    x0 = jnp.maximum(
        jnp.dot(g0[...], ws0v, preferred_element_type=f32)
        + jnp.dot(sum1[...] * (1.0 / _F0), wn0v, preferred_element_type=f32)
        + b0v, 0.0)
    acc = jnp.zeros((_B, _D), f32)
    for r in range(_F0):
        x1r = jnp.maximum(
            jnp.dot(g13[:, r, :], ws0v, preferred_element_type=f32)
            + jnp.dot(sum23[:, r, :] * (1.0 / _F1), wn0v, preferred_element_type=f32)
            + b0v, 0.0)
        acc = acc + x1r
    out[...] = (jnp.dot(x0, ws1[...], preferred_element_type=f32)
                + jnp.dot(acc * (1.0 / _F0), wn1[...], preferred_element_type=f32)
                + b1[...])


def kernel(nodes, neigh1, neigh2, feat, W_self0, W_neigh0, b0,
           W_self1, W_neigh1, b1):
    idx2 = neigh2.astype(jnp.int32).reshape(_NW, _CH2, _CW2)
    idx1 = neigh1.astype(jnp.int32).reshape(_NW, _CH1, _CW1)
    idx0 = nodes.astype(jnp.int32).reshape(_NW, _R0_PER_TILE)
    zeros = jnp.zeros((_NS * _SEG2_PER_TILE, _D), _f32)

    sum2, g1, sum1, g0 = _sc_gather(
        feat, idx2, jnp.asarray(_SEG2), idx1, jnp.asarray(_SEG1), idx0, zeros)

    out = pl.pallas_call(
        _tc_body,
        out_shape=jax.ShapeDtypeStruct((_B, _D), _f32),
    )(g0, g1.reshape(_B, _F0, _D), sum1, sum2.reshape(_B, _F0, _D),
      W_self0, W_neigh0, b0.reshape(1, _D),
      W_self1, W_neigh1, b1.reshape(1, _D))
    return out

# --- scband reference (transcript-rebuilt; emitter-appended) ---
"""Pipeline reference for scband-base-sage-encoder-57964878627049 (READ-ONLY COPY).

The authoritative reference and input builder live on the scoring server;
editing this copy changes nothing except your own understanding.
"""

import jax, jax.numpy as jnp
import numpy as np

B, F0, F1 = 1024, 10, 25
N_NODES, D_FEAT, DIM = 100000, 128, 128


def setup_inputs(seed: int = 0) -> dict:
    key = jax.random.key(seed)
    ks = jax.random.split(key, 10)
    nodes = jax.random.randint(ks[0], (B,), 0, N_NODES, dtype=jnp.int64 if jax.config.jax_enable_x64 else jnp.int32)
    neigh1 = jax.random.randint(ks[1], (B * F0,), 0, N_NODES, dtype=nodes.dtype)
    neigh2 = jax.random.randint(ks[2], (B * F0 * F1,), 0, N_NODES, dtype=nodes.dtype)
    feat = jax.random.normal(ks[3], (N_NODES, D_FEAT), dtype=jnp.float32)
    W_self0 = jax.random.normal(ks[4], (D_FEAT, DIM), dtype=jnp.float32) * 0.05
    W_neigh0 = jax.random.normal(ks[5], (D_FEAT, DIM), dtype=jnp.float32) * 0.05
    b0 = jnp.zeros((DIM,), dtype=jnp.float32)
    W_self1 = jax.random.normal(ks[6], (DIM, DIM), dtype=jnp.float32) * 0.05
    W_neigh1 = jax.random.normal(ks[7], (DIM, DIM), dtype=jnp.float32) * 0.05
    b1 = jnp.zeros((DIM,), dtype=jnp.float32)
    return {"nodes": nodes, "neigh1": neigh1, "neigh2": neigh2, "feat": feat,
            "W_self0": W_self0, "W_neigh0": W_neigh0, "b0": b0,
            "W_self1": W_self1, "W_neigh1": W_neigh1, "b1": b1}


def reference(nodes, neigh1, neigh2, feat, W_self0, W_neigh0, b0, W_self1, W_neigh1, b1):
    # BaseSageEncoder.call with metapath len 2, fanouts [10, 25], mean aggregator,
    # concat=False, node encoder = dense feature lookup (ShallowEncoder feature path).
    fanouts = [F0, F1]
    dims = [feat.shape[1], W_self0.shape[1], W_self1.shape[1]]
    num_layers = 2
    samples = [nodes, neigh1, neigh2]
    # hidden = [node_encoder(sample) for sample in samples]
    hidden = [jnp.take(feat, s, axis=0) for s in samples]
    layer_params = [(W_self0, W_neigh0, b0, True), (W_self1, W_neigh1, b1, False)]
    for layer in range(num_layers):
        Ws, Wn, b, use_act = layer_params[layer]
        next_hidden = []
        for hop in range(num_layers - layer):
            # neigh_processing: reshape to [-1, fanouts[hop], dims[layer]]
            neigh_hidden = hidden[hop + 1].reshape(-1, fanouts[hop], dims[layer])
            # mean aggregation over sampled neighbors
            neigh_agg = jnp.mean(neigh_hidden, axis=1)
            h = hidden[hop] @ Ws + neigh_agg @ Wn + b
            if use_act:
                h = jax.nn.relu(h)
            next_hidden.append(h)
        hidden = next_hidden
    out = hidden[0].reshape(nodes.shape[0], dims[-1])
    return out

if __name__ == "__main__":
    import jax
    _d = setup_inputs()
    print(jax.jit(kernel)(*tuple(_d.values())))

</pallas_src>

<mosaic_0001>
#map = affine_map<(d0, d1) -> (0, 0)>
#map1 = affine_map<(d0, d1) -> (0, 0, 0)>
module attributes {stable_mosaic.version = 14 : i64} {
  func.func @_sc_gather(%arg0: i32, %arg1: i32, %arg2: memref<100000x128xf32, #tpu.memory_space<hbm>>, %arg3: memref<32x100x80xi32, #tpu.memory_space<hbm>>, %arg4: memref<32x100x80xi32, #tpu.memory_space<hbm>>, %arg5: memref<32x4x80xi32, #tpu.memory_space<hbm>>, %arg6: memref<32x4x80xi32, #tpu.memory_space<hbm>>, %arg7: memref<32x32xi32, #tpu.memory_space<hbm>>, %arg8: memref<5120x128xf32, #tpu.memory_space<hbm>>, %arg9: memref<10240x128xf32, #tpu.memory_space<hbm>>, %arg10: memref<10240x128xf32, #tpu.memory_space<hbm>>, %arg11: memref<1024x128xf32, #tpu.memory_space<hbm>>, %arg12: memref<1024x128xf32, #tpu.memory_space<hbm>>, %arg13: memref<100x80xi32, #tpu.memory_space<vmem>>, %arg14: memref<100x80xi32, #tpu.memory_space<vmem>>, %arg15: memref<4x80xi32, #tpu.memory_space<vmem>>, %arg16: memref<4x80xi32, #tpu.memory_space<vmem>>, %arg17: memref<32xi32, #tpu.memory_space<vmem>>, %arg18: memref<80x128xf32, #tpu.memory_space<vmem>>, %arg19: memref<80x128xf32, #tpu.memory_space<vmem>>, %arg20: memref<80x128xf32, #tpu.memory_space<vmem>>, %arg21: memref<80x128xf32, #tpu.memory_space<vmem>>, %arg22: memref<80x128xf32, #tpu.memory_space<vmem>>, %arg23: memref<32x128xf32, #tpu.memory_space<vmem>>, %arg24: memref<5120x128xf32, #tpu.memory_space<vmem_shared>>, %arg25: memref<512x128xf32, #tpu.memory_space<vmem_shared>>, %arg26: memref<!tpu.dma_semaphore, #tpu.memory_space<semaphore_mem>>, %arg27: memref<!tpu.dma_semaphore, #tpu.memory_space<semaphore_mem>>, %arg28: memref<!tpu.dma_semaphore, #tpu.memory_space<semaphore_mem>>) attributes {dimension_semantics = [#tpu.dimension_semantics<core_parallel>, #tpu.dimension_semantics<subcore_parallel>], iteration_bounds = array<i64: 2, 16>, scalar_prefetch = 0 : i64, scratch_operands = 16 : i64, tpu.core_type = #tpu.core_type<sc_vector_subcore>, window_params = [{transform_indices = #map}, {transform_indices = #map1}, {transform_indices = #map1}, {transform_indices = #map1}, {transform_indices = #map1}, {transform_indices = #map}, {transform_indices = #map}, {transform_indices = #map}, {transform_indices = #map}, {transform_indices = #map}, {transform_indices = #map}]} {
    %mul3A = arith.constant 16 : i32
    %mul3A_0 = arith.muli %arg0, %mul3A : i32
    %add3A = arith.addi %mul3A_0, %arg1 : i32
    "tpu.region"() ({
      %run_scoped3A_186 = tpu.sem_alloc : memref<!tpu.dma_semaphore, #tpu.memory_space<semaphore_mem>>
      %dma_start3A_187 = arith.constant 0 : i32
      %dma_start3A_188 = arith.constant 0 : i32
      %dma_start3A_189 = tpu.memref_slice %arg3[%add3A, %dma_start3A_187, %dma_start3A_188] : memref<32x100x80xi32, #tpu.memory_space<hbm>> -> memref<1x100x80xi32, #tpu.memory_space<hbm>>
      %dma_start3A_190 = tpu.memref_squeeze %dma_start3A_189 : memref<1x100x80xi32, #tpu.memory_space<hbm>> -> memref<100x80xi32, #tpu.memory_space<hbm>>
      %dma_start3A_191 = arith.constant 0 : i32
      %dma_start3A_192 = arith.constant 0 : i32
      %dma_start3A_193 = tpu.memref_slice %arg3[%add3A, %dma_start3A_191, %dma_start3A_192] : memref<32x100x80xi32, #tpu.memory_space<hbm>> -> memref<1x100x80xi32, #tpu.memory_space<hbm>>
      %dma_start3A_194 = tpu.memref_squeeze %dma_start3A_193 : memref<1x100x80xi32, #tpu.memory_space<hbm>> -> memref<100x80xi32, #tpu.memory_space<hbm>>
      tpu.enqueue_dma source(%dma_start3A_194 : memref<100x80xi32, #tpu.memory_space<hbm>>) target(%arg13 : memref<100x80xi32, #tpu.memory_space<vmem>>) target_semaphore(%run_scoped3A_186 : memref<!tpu.dma_semaphore, #tpu.memory_space<semaphore_mem>>)
      %dma_wait3A_195 = arith.constant 0 : i32
      %dma_wait3A_196 = arith.constant 0 : i32
      %dma_wait3A_197 = tpu.memref_slice %arg3[%add3A, %dma_wait3A_195, %dma_wait3A_196] : memref<32x100x80xi32, #tpu.memory_space<hbm>> -> memref<1x100x80xi32, #tpu.memory_space<hbm>>
      %dma_wait3A_198 = tpu.memref_squeeze %dma_wait3A_197 : memref<1x100x80xi32, #tpu.memory_space<hbm>> -> memref<100x80xi32, #tpu.memory_space<hbm>>
      %dma_wait3A_199 = arith.constant 0 : i32
      %dma_wait3A_200 = arith.constant 0 : i32
      %dma_wait3A_201 = tpu.memref_slice %arg3[%add3A, %dma_wait3A_199, %dma_wait3A_200] : memref<32x100x80xi32, #tpu.memory_space<hbm>> -> memref<1x100x80xi32, #tpu.memory_space<hbm>>
      %dma_wait3A_202 = tpu.memref_squeeze %dma_wait3A_201 : memref<1x100x80xi32, #tpu.memory_space<hbm>> -> memref<100x80xi32, #tpu.memory_space<hbm>>
      tpu.wait_dma2 semaphore(%run_scoped3A_186 : memref<!tpu.dma_semaphore, #tpu.memory_space<semaphore_mem>>) src(%dma_wait3A_202 : memref<100x80xi32, #tpu.memory_space<hbm>>) dst(%arg13 : memref<100x80xi32, #tpu.memory_space<vmem>>)
      tpu.yield
    }) : () -> ()
    "tpu.region"() ({
      %run_scoped3A_186 = tpu.sem_alloc : memref<!tpu.dma_semaphore, #tpu.memory_space<semaphore_mem>>
      %dma_start3A_187 = arith.constant 0 : i32
      %dma_start3A_188 = arith.constant 0 : i32
      %dma_start3A_189 = tpu.memref_slice %arg4[%add3A, %dma_start3A_187, %dma_start3A_188] : memref<32x100x80xi32, #tpu.memory_space<hbm>> -> memref<1x100x80xi32, #tpu.memory_space<hbm>>
      %dma_start3A_190 = tpu.memref_squeeze %dma_start3A_189 : memref<1x100x80xi32, #tpu.memory_space<hbm>> -> memref<100x80xi32, #tpu.memory_space<hbm>>
      %dma_start3A_191 = arith.constant 0 : i32
      %dma_start3A_192 = arith.constant 0 : i32
      %dma_start3A_193 = tpu.memref_slice %arg4[%add3A, %dma_start3A_191, %dma_start3A_192] : memref<32x100x80xi32, #tpu.memory_space<hbm>> -> memref<1x100x80xi32, #tpu.memory_space<hbm>>
      %dma_start3A_194 = tpu.memref_squeeze %dma_start3A_193 : memref<1x100x80xi32, #tpu.memory_space<hbm>> -> memref<100x80xi32, #tpu.memory_space<hbm>>
      tpu.enqueue_dma source(%dma_start3A_194 : memref<100x80xi32, #tpu.memory_space<hbm>>) target(%arg14 : memref<100x80xi32, #tpu.memory_space<vmem>>) target_semaphore(%run_scoped3A_186 : memref<!tpu.dma_semaphore, #tpu.memory_space<semaphore_mem>>)
      %dma_wait3A_195 = arith.constant 0 : i32
      %dma_wait3A_196 = arith.constant 0 : i32
      %dma_wait3A_197 = tpu.memref_slice %arg4[%add3A, %dma_wait3A_195, %dma_wait3A_196] : memref<32x100x80xi32, #tpu.memory_space<hbm>> -> memref<1x100x80xi32, #tpu.memory_space<hbm>>
      %dma_wait3A_198 = tpu.memref_squeeze %dma_wait3A_197 : memref<1x100x80xi32, #tpu.memory_space<hbm>> -> memref<100x80xi32, #tpu.memory_space<hbm>>
      %dma_wait3A_199 = arith.constant 0 : i32
      %dma_wait3A_200 = arith.constant 0 : i32
      %dma_wait3A_201 = tpu.memref_slice %arg4[%add3A, %dma_wait3A_199, %dma_wait3A_200] : memref<32x100x80xi32, #tpu.memory_space<hbm>> -> memref<1x100x80xi32, #tpu.memory_space<hbm>>
      %dma_wait3A_202 = tpu.memref_squeeze %dma_wait3A_201 : memref<1x100x80xi32, #tpu.memory_space<hbm>> -> memref<100x80xi32, #tpu.memory_space<hbm>>
      tpu.wait_dma2 semaphore(%run_scoped3A_186 : memref<!tpu.dma_semaphore, #tpu.memory_space<semaphore_mem>>) src(%dma_wait3A_202 : memref<100x80xi32, #tpu.memory_space<hbm>>) dst(%arg14 : memref<100x80xi32, #tpu.memory_space<vmem>>)
      tpu.yield
    }) : () -> ()
    "tpu.region"() ({
      %run_scoped3A_186 = tpu.sem_alloc : memref<!tpu.dma_semaphore, #tpu.memory_space<semaphore_mem>>
      %dma_start3A_187 = arith.constant 0 : i32
      %dma_start3A_188 = arith.constant 0 : i32
      %dma_start3A_189 = tpu.memref_slice %arg5[%add3A, %dma_start3A_187, %dma_start3A_188] : memref<32x4x80xi32, #tpu.memory_space<hbm>> -> memref<1x4x80xi32, #tpu.memory_space<hbm>>
      %dma_start3A_190 = tpu.memref_squeeze %dma_start3A_189 : memref<1x4x80xi32, #tpu.memory_space<hbm>> -> memref<4x80xi32, #tpu.memory_space<hbm>>
      %dma_start3A_191 = arith.constant 0 : i32
      %dma_start3A_192 = arith.constant 0 : i32
      %dma_start3A_193 = tpu.memref_slice %arg5[%add3A, %dma_start3A_191, %dma_start3A_192] : memref<32x4x80xi32, #tpu.memory_space<hbm>> -> memref<1x4x80xi32, #tpu.memory_space<hbm>>
      %dma_start3A_194 = tpu.memref_squeeze %dma_start3A_193 : memref<1x4x80xi32, #tpu.memory_space<hbm>> -> memref<4x80xi32, #tpu.memory_space<hbm>>
      tpu.enqueue_dma source(%dma_start3A_194 : memref<4x80xi32, #tpu.memory_space<hbm>>) target(%arg15 : memref<4x80xi32, #tpu.memory_space<vmem>>) target_semaphore(%run_scoped3A_186 : memref<!tpu.dma_semaphore, #tpu.memory_space<semaphore_mem>>)
      %dma_wait3A_195 = arith.constant 0 : i32
      %dma_wait3A_196 = arith.constant 0 : i32
      %dma_wait3A_197 = tpu.memref_slice %arg5[%add3A, %dma_wait3A_195, %dma_wait3A_196] : memref<32x4x80xi32, #tpu.memory_space<hbm>> -> memref<1x4x80xi32, #tpu.memory_space<hbm>>
      %dma_wait3A_198 = tpu.memref_squeeze %dma_wait3A_197 : memref<1x4x80xi32, #tpu.memory_space<hbm>> -> memref<4x80xi32, #tpu.memory_space<hbm>>
      %dma_wait3A_199 = arith.constant 0 : i32
      %dma_wait3A_200 = arith.constant 0 : i32
      %dma_wait3A_201 = tpu.memref_slice %arg5[%add3A, %dma_wait3A_199, %dma_wait3A_200] : memref<32x4x80xi32, #tpu.memory_space<hbm>> -> memref<1x4x80xi32, #tpu.memory_space<hbm>>
      %dma_wait3A_202 = tpu.memref_squeeze %dma_wait3A_201 : memref<1x4x80xi32, #tpu.memory_space<hbm>> -> memref<4x80xi32, #tpu.memory_space<hbm>>
      tpu.wait_dma2 semaphore(%run_scoped3A_186 : memref<!tpu.dma_semaphore, #tpu.memory_space<semaphore_mem>>) src(%dma_wait3A_202 : memref<4x80xi32, #tpu.memory_space<hbm>>) dst(%arg15 : memref<4x80xi32, #tpu.memory_space<vmem>>)
      tpu.yield
    }) : () -> ()
    "tpu.region"() ({
      %run_scoped3A_186 = tpu.sem_alloc : memref<!tpu.dma_semaphore, #tpu.memory_space<semaphore_mem>>
      %dma_start3A_187 = arith.constant 0 : i32
      %dma_start3A_188 = arith.constant 0 : i32
      %dma_start3A_189 = tpu.memref_slice %arg6[%add3A, %dma_start3A_187, %dma_start3A_188] : memref<32x4x80xi32, #tpu.memory_space<hbm>> -> memref<1x4x80xi32, #tpu.memory_space<hbm>>
      %dma_start3A_190 = tpu.memref_squeeze %dma_start3A_189 : memref<1x4x80xi32, #tpu.memory_space<hbm>> -> memref<4x80xi32, #tpu.memory_space<hbm>>
      %dma_start3A_191 = arith.constant 0 : i32
      %dma_start3A_192 = arith.constant 0 : i32
      %dma_start3A_193 = tpu.memref_slice %arg6[%add3A, %dma_start3A_191, %dma_start3A_192] : memref<32x4x80xi32, #tpu.memory_space<hbm>> -> memref<1x4x80xi32, #tpu.memory_space<hbm>>
      %dma_start3A_194 = tpu.memref_squeeze %dma_start3A_193 : memref<1x4x80xi32, #tpu.memory_space<hbm>> -> memref<4x80xi32, #tpu.memory_space<hbm>>
      tpu.enqueue_dma source(%dma_start3A_194 : memref<4x80xi32, #tpu.memory_space<hbm>>) target(%arg16 : memref<4x80xi32, #tpu.memory_space<vmem>>) target_semaphore(%run_scoped3A_186 : memref<!tpu.dma_semaphore, #tpu.memory_space<semaphore_mem>>)
      %dma_wait3A_195 = arith.constant 0 : i32
      %dma_wait3A_196 = arith.constant 0 : i32
      %dma_wait3A_197 = tpu.memref_slice %arg6[%add3A, %dma_wait3A_195, %dma_wait3A_196] : memref<32x4x80xi32, #tpu.memory_space<hbm>> -> memref<1x4x80xi32, #tpu.memory_space<hbm>>
      %dma_wait3A_198 = tpu.memref_squeeze %dma_wait3A_197 : memref<1x4x80xi32, #tpu.memory_space<hbm>> -> memref<4x80xi32, #tpu.memory_space<hbm>>
      %dma_wait3A_199 = arith.constant 0 : i32
      %dma_wait3A_200 = arith.constant 0 : i32
      %dma_wait3A_201 = tpu.memref_slice %arg6[%add3A, %dma_wait3A_199, %dma_wait3A_200] : memref<32x4x80xi32, #tpu.memory_space<hbm>> -> memref<1x4x80xi32, #tpu.memory_space<hbm>>
      %dma_wait3A_202 = tpu.memref_squeeze %dma_wait3A_201 : memref<1x4x80xi32, #tpu.memory_space<hbm>> -> memref<4x80xi32, #tpu.memory_space<hbm>>
      tpu.wait_dma2 semaphore(%run_scoped3A_186 : memref<!tpu.dma_semaphore, #tpu.memory_space<semaphore_mem>>) src(%dma_wait3A_202 : memref<4x80xi32, #tpu.memory_space<hbm>>) dst(%arg16 : memref<4x80xi32, #tpu.memory_space<vmem>>)
      tpu.yield
    }) : () -> ()
    "tpu.region"() ({
      %run_scoped3A_186 = tpu.sem_alloc : memref<!tpu.dma_semaphore, #tpu.memory_space<semaphore_mem>>
      %dma_start3A_187 = arith.constant 0 : i32
      %dma_start3A_188 = tpu.memref_slice %arg7[%add3A, %dma_start3A_187] : memref<32x32xi32, #tpu.memory_space<hbm>> -> memref<1x32xi32, #tpu.memory_space<hbm>>
      %dma_start3A_189 = tpu.memref_squeeze %dma_start3A_188 : memref<1x32xi32, #tpu.memory_space<hbm>> -> memref<32xi32, #tpu.memory_space<hbm>>
      %dma_start3A_190 = arith.constant 0 : i32
      %dma_start3A_191 = tpu.memref_slice %arg7[%add3A, %dma_start3A_190] : memref<32x32xi32, #tpu.memory_space<hbm>> -> memref<1x32xi32, #tpu.memory_space<hbm>>
      %dma_start3A_192 = tpu.memref_squeeze %dma_start3A_191 : memref<1x32xi32, #tpu.memory_space<hbm>> -> memref<32xi32, #tpu.memory_space<hbm>>
      tpu.enqueue_dma source(%dma_start3A_192 : memref<32xi32, #tpu.memory_space<hbm>>) target(%arg17 : memref<32xi32, #tpu.memory_space<vmem>>) target_semaphore(%run_scoped3A_186 : memref<!tpu.dma_semaphore, #tpu.memory_space<semaphore_mem>>)
      %dma_wait3A_193 = arith.constant 0 : i32
      %dma_wait3A_194 = tpu.memref_slice %arg7[%add3A, %dma_wait3A_193] : memref<32x32xi32, #tpu.memory_space<hbm>> -> memref<1x32xi32, #tpu.memory_space<hbm>>
      %dma_wait3A_195 = tpu.memref_squeeze %dma_wait3A_194 : memref<1x32xi32, #tpu.memory_space<hbm>> -> memref<32xi32, #tpu.memory_space<hbm>>
      %dma_wait3A_196 = arith.constant 0 : i32
      %dma_wait3A_197 = tpu.memref_slice %arg7[%add3A, %dma_wait3A_196] : memref<32x32xi32, #tpu.memory_space<hbm>> -> memref<1x32xi32, #tpu.memory_space<hbm>>
      %dma_wait3A_198 = tpu.memref_squeeze %dma_wait3A_197 : memref<1x32xi32, #tpu.memory_space<hbm>> -> memref<32xi32, #tpu.memory_space<hbm>>
      tpu.wait_dma2 semaphore(%run_scoped3A_186 : memref<!tpu.dma_semaphore, #tpu.memory_space<semaphore_mem>>) src(%dma_wait3A_198 : memref<32xi32, #tpu.memory_space<hbm>>) dst(%arg17 : memref<32xi32, #tpu.memory_space<vmem>>)
      tpu.yield
    }) : () -> ()
    %dma_start3A = arith.constant 0 : i32
    %dma_start3A_1 = arith.constant 0 : i32
    %dma_start3A_2 = tpu.memref_slice %arg2[%dma_start3A, %dma_start3A_1] : memref<100000x128xf32, #tpu.memory_space<hbm>> -> memref<100000x128xf32, #tpu.memory_space<hbm>>
    tpu.enqueue_indirect_dma source(%dma_start3A_2 : memref<100000x128xf32, #tpu.memory_space<hbm>>) target(%arg23 : memref<32x128xf32, #tpu.memory_space<vmem>>) offsets(%arg17 : memref<32xi32, #tpu.memory_space<vmem>>) semaphore(%arg28 : memref<!tpu.dma_semaphore, #tpu.memory_space<semaphore_mem>>)
    %mul3A_3 = arith.constant 320 : i32
    %mul3A_4 = arith.muli %arg1, %mul3A_3 : i32
    %mul3A_5 = arith.constant 320 : i32
    %mul3A_6 = arith.muli %arg1, %mul3A_5 : i32
    "tpu.region"() ({
      %run_scoped3A_186 = tpu.sem_alloc : memref<!tpu.dma_semaphore, #tpu.memory_space<semaphore_mem>>
      %dma_start3A_187 = arith.constant 0 : i32
      %dma_start3A_188 = tpu.memref_slice %arg24[%mul3A_6, %dma_start3A_187] : memref<5120x128xf32, #tpu.memory_space<vmem_shared>> -> memref<320x128xf32, #tpu.memory_space<vmem_shared>>
      %dma_start3A_189 = arith.constant 0 : i32
      %dma_start3A_190 = tpu.memref_slice %arg8[%mul3A_4, %dma_start3A_189] : memref<5120x128xf32, #tpu.memory_space<hbm>> -> memref<320x128xf32, #tpu.memory_space<hbm>>
      tpu.enqueue_dma source(%dma_start3A_190 : memref<320x128xf32, #tpu.memory_space<hbm>>) target(%dma_start3A_188 : memref<320x128xf32, #tpu.memory_space<vmem_shared>>) target_semaphore(%run_scoped3A_186 : memref<!tpu.dma_semaphore, #tpu.memory_space<semaphore_mem>>)
      %dma_wait3A_191 = arith.constant 0 : i32
      %dma_wait3A_192 = tpu.memref_slice %arg24[%mul3A_6, %dma_wait3A_191] : memref<5120x128xf32, #tpu.memory_space<vmem_shared>> -> memref<320x128xf32, #tpu.memory_space<vmem_shared>>
      %dma_wait3A_193 = arith.constant 0 : i32
      %dma_wait3A_194 = tpu.memref_slice %arg8[%mul3A_4, %dma_wait3A_193] : memref<5120x128xf32, #tpu.memory_space<hbm>> -> memref<320x128xf32, #tpu.memory_space<hbm>>
      tpu.wait_dma2 semaphore(%run_scoped3A_186 : memref<!tpu.dma_semaphore, #tpu.memory_space<semaphore_mem>>) src(%dma_wait3A_194 : memref<320x128xf32, #tpu.memory_space<hbm>>) dst(%dma_wait3A_192 : memref<320x128xf32, #tpu.memory_space<vmem_shared>>)
      tpu.yield
    }) : () -> ()
    %mul3A_7 = arith.constant 32 : i32
    %mul3A_8 = arith.muli %arg1, %mul3A_7 : i32
    %mul3A_9 = arith.constant 32 : i32
    %mul3A_10 = arith.muli %arg1, %mul3A_9 : i32
    "tpu.region"() ({
      %run_scoped3A_186 = tpu.sem_alloc : memref<!tpu.dma_semaphore, #tpu.memory_space<semaphore_mem>>
      %dma_start3A_187 = arith.constant 0 : i32
      %dma_start3A_188 = tpu.memref_slice %arg25[%mul3A_10, %dma_start3A_187] : memref<512x128xf32, #tpu.memory_space<vmem_shared>> -> memref<32x128xf32, #tpu.memory_space<vmem_shared>>
      %dma_start3A_189 = arith.constant 0 : i32
      %dma_start3A_190 = tpu.memref_slice %arg8[%mul3A_8, %dma_start3A_189] : memref<5120x128xf32, #tpu.memory_space<hbm>> -> memref<32x128xf32, #tpu.memory_space<hbm>>
      tpu.enqueue_dma source(%dma_start3A_190 : memref<32x128xf32, #tpu.memory_space<hbm>>) target(%dma_start3A_188 : memref<32x128xf32, #tpu.memory_space<vmem_shared>>) target_semaphore(%run_scoped3A_186 : memref<!tpu.dma_semaphore, #tpu.memory_space<semaphore_mem>>)
      %dma_wait3A_191 = arith.constant 0 : i32
      %dma_wait3A_192 = tpu.memref_slice %arg25[%mul3A_10, %dma_wait3A_191] : memref<512x128xf32, #tpu.memory_space<vmem_shared>> -> memref<32x128xf32, #tpu.memory_space<vmem_shared>>
      %dma_wait3A_193 = arith.constant 0 : i32
      %dma_wait3A_194 = tpu.memref_slice %arg8[%mul3A_8, %dma_wait3A_193] : memref<5120x128xf32, #tpu.memory_space<hbm>> -> memref<32x128xf32, #tpu.memory_space<hbm>>
      tpu.wait_dma2 semaphore(%run_scoped3A_186 : memref<!tpu.dma_semaphore, #tpu.memory_space<semaphore_mem>>) src(%dma_wait3A_194 : memref<32x128xf32, #tpu.memory_space<hbm>>) dst(%dma_wait3A_192 : memref<32x128xf32, #tpu.memory_space<vmem_shared>>)
      tpu.yield
    }) : () -> ()
    %dma_start3A_11 = arith.constant 0 : i32
    %dma_start3A_12 = arith.constant 0 : i32
    %dma_start3A_13 = tpu.memref_slice %arg13[%dma_start3A_11, %dma_start3A_12] : memref<100x80xi32, #tpu.memory_space<vmem>> -> memref<1x80xi32, #tpu.memory_space<vmem>>
    %dma_start3A_14 = tpu.memref_squeeze %dma_start3A_13 : memref<1x80xi32, #tpu.memory_space<vmem>> -> memref<80xi32, #tpu.memory_space<vmem>>
    %dma_start3A_15 = arith.constant 0 : i32
    %dma_start3A_16 = arith.constant 0 : i32
    %dma_start3A_17 = tpu.memref_slice %arg2[%dma_start3A_15, %dma_start3A_16] : memref<100000x128xf32, #tpu.memory_space<hbm>> -> memref<100000x128xf32, #tpu.memory_space<hbm>>
    tpu.enqueue_indirect_dma source(%dma_start3A_17 : memref<100000x128xf32, #tpu.memory_space<hbm>>) target(%arg18 : memref<80x128xf32, #tpu.memory_space<vmem>>) offsets(%dma_start3A_14 : memref<80xi32, #tpu.memory_space<vmem>>) semaphore(%arg26 : memref<!tpu.dma_semaphore, #tpu.memory_space<semaphore_mem>>)
    %dma_start3A_18 = arith.constant 1 : i32
    %dma_start3A_19 = arith.constant 0 : i32
    %dma_start3A_20 = tpu.memref_slice %arg13[%dma_start3A_18, %dma_start3A_19] : memref<100x80xi32, #tpu.memory_space<vmem>> -> memref<1x80xi32, #tpu.memory_space<vmem>>
    %dma_start3A_21 = tpu.memref_squeeze %dma_start3A_20 : memref<1x80xi32, #tpu.memory_space<vmem>> -> memref<80xi32, #tpu.memory_space<vmem>>
    %dma_start3A_22 = arith.constant 0 : i32
    %dma_start3A_23 = arith.constant 0 : i32
    %dma_start3A_24 = tpu.memref_slice %arg2[%dma_start3A_22, %dma_start3A_23] : memref<100000x128xf32, #tpu.memory_space<hbm>> -> memref<100000x128xf32, #tpu.memory_space<hbm>>
    tpu.enqueue_indirect_dma source(%dma_start3A_24 : memref<100000x128xf32, #tpu.memory_space<hbm>>) target(%arg19 : memref<80x128xf32, #tpu.memory_space<vmem>>) offsets(%dma_start3A_21 : memref<80xi32, #tpu.memory_space<vmem>>) semaphore(%arg26 : memref<!tpu.dma_semaphore, #tpu.memory_space<semaphore_mem>>)
    %dma_start3A_25 = arith.constant 2 : i32
    %dma_start3A_26 = arith.constant 0 : i32
    %dma_start3A_27 = tpu.memref_slice %arg13[%dma_start3A_25, %dma_start3A_26] : memref<100x80xi32, #tpu.memory_space<vmem>> -> memref<1x80xi32, #tpu.memory_space<vmem>>
    %dma_start3A_28 = tpu.memref_squeeze %dma_start3A_27 : memref<1x80xi32, #tpu.memory_space<vmem>> -> memref<80xi32, #tpu.memory_space<vmem>>
    %dma_start3A_29 = arith.constant 0 : i32
    %dma_start3A_30 = arith.constant 0 : i32
    %dma_start3A_31 = tpu.memref_slice %arg2[%dma_start3A_29, %dma_start3A_30] : memref<100000x128xf32, #tpu.memory_space<hbm>> -> memref<100000x128xf32, #tpu.memory_space<hbm>>
    tpu.enqueue_indirect_dma source(%dma_start3A_31 : memref<100000x128xf32, #tpu.memory_space<hbm>>) target(%arg20 : memref<80x128xf32, #tpu.memory_space<vmem>>) offsets(%dma_start3A_28 : memref<80xi32, #tpu.memory_space<vmem>>) semaphore(%arg26 : memref<!tpu.dma_semaphore, #tpu.memory_space<semaphore_mem>>)
    %dma_start3A_32 = arith.constant 3 : i32
    %dma_start3A_33 = arith.constant 0 : i32
    %dma_start3A_34 = tpu.memref_slice %arg13[%dma_start3A_32, %dma_start3A_33] : memref<100x80xi32, #tpu.memory_space<vmem>> -> memref<1x80xi32, #tpu.memory_space<vmem>>
    %dma_start3A_35 = tpu.memref_squeeze %dma_start3A_34 : memref<1x80xi32, #tpu.memory_space<vmem>> -> memref<80xi32, #tpu.memory_space<vmem>>
    %dma_start3A_36 = arith.constant 0 : i32
    %dma_start3A_37 = arith.constant 0 : i32
    %dma_start3A_38 = tpu.memref_slice %arg2[%dma_start3A_36, %dma_start3A_37] : memref<100000x128xf32, #tpu.memory_space<hbm>> -> memref<100000x128xf32, #tpu.memory_space<hbm>>
    tpu.enqueue_indirect_dma source(%dma_start3A_38 : memref<100000x128xf32, #tpu.memory_space<hbm>>) target(%arg21 : memref<80x128xf32, #tpu.memory_space<vmem>>) offsets(%dma_start3A_35 : memref<80xi32, #tpu.memory_space<vmem>>) semaphore(%arg26 : memref<!tpu.dma_semaphore, #tpu.memory_space<semaphore_mem>>)
    %scan3A = arith.constant 0 : i32
    %scan3A_39 = arith.constant 0 : i32
    %scan3A_40 = arith.constant 20 : i32
    %scan3A_41 = arith.addi %scan3A_39, %scan3A_40 : i32
    %scan3A_42 = arith.constant 1 : i32
    scf.for %scan3A_186 = %scan3A_39 to %scan3A_41 step %scan3A_42  : i32 {
      %mul3A_187 = arith.constant 5 : i32
      %mul3A_188 = arith.muli %mul3A_187, %scan3A_186 : i32
      %add3A_189 = arith.constant 0 : i32
      %add3A_190 = arith.addi %mul3A_188, %add3A_189 : i32
      %dma_wait3A_191 = arith.constant 0 : i32
      %dma_wait3A_192 = tpu.memref_slice %arg13[%add3A_190, %dma_wait3A_191] : memref<100x80xi32, #tpu.memory_space<vmem>> -> memref<1x80xi32, #tpu.memory_space<vmem>>
      %dma_wait3A_193 = tpu.memref_squeeze %dma_wait3A_192 : memref<1x80xi32, #tpu.memory_space<vmem>> -> memref<80xi32, #tpu.memory_space<vmem>>
      %dma_wait3A_194 = arith.constant 0 : i32
      %dma_wait3A_195 = arith.constant 0 : i32
      %dma_wait3A_196 = tpu.memref_slice %arg2[%dma_wait3A_194, %dma_wait3A_195] : memref<100000x128xf32, #tpu.memory_space<hbm>> -> memref<100000x128xf32, #tpu.memory_space<hbm>>
      tpu.wait_indirect_dma semaphore(%arg26 : memref<!tpu.dma_semaphore, #tpu.memory_space<semaphore_mem>>) src(%dma_wait3A_196 : memref<100000x128xf32, #tpu.memory_space<hbm>>) dst(%arg18 : memref<80x128xf32, #tpu.memory_space<vmem>>)
      %dma_start3A_197 = arith.constant 0 : i32
      %dma_start3A_198 = tpu.memref_slice %arg14[%add3A_190, %dma_start3A_197] : memref<100x80xi32, #tpu.memory_space<vmem>> -> memref<1x80xi32, #tpu.memory_space<vmem>>
      %dma_start3A_199 = tpu.memref_squeeze %dma_start3A_198 : memref<1x80xi32, #tpu.memory_space<vmem>> -> memref<80xi32, #tpu.memory_space<vmem>>
      %dma_start3A_200 = arith.constant 0 : i32
      %dma_start3A_201 = arith.constant 0 : i32
      %dma_start3A_202 = tpu.memref_slice %arg24[%dma_start3A_200, %dma_start3A_201] : memref<5120x128xf32, #tpu.memory_space<vmem_shared>> -> memref<5120x128xf32, #tpu.memory_space<vmem_shared>>
      tpu.enqueue_indirect_dma source(%arg18 : memref<80x128xf32, #tpu.memory_space<vmem>>) target(%dma_start3A_202 : memref<5120x128xf32, #tpu.memory_space<vmem_shared>>) offsets(%dma_start3A_199 : memref<80xi32, #tpu.memory_space<vmem>>) semaphore(%arg27 : memref<!tpu.dma_semaphore, #tpu.memory_space<semaphore_mem>>) {add = true}
      %ge3A = arith.constant 1 : i32
      %ge3A_203 = arith.cmpi sge, %add3A_190, %ge3A : i32
      %convert_element_type3A = arith.extui %ge3A_203 : i1 to i32
      %cond3A = arith.constant 0 : i32
      %cond3A_204 = arith.cmpi ne, %convert_element_type3A, %cond3A : i32
      scf.if %cond3A_204 {
        %sub3A_332 = arith.constant 1 : i32
        %sub3A_333 = arith.subi %add3A_190, %sub3A_332 : i32
        %dma_wait3A_334 = arith.constant 0 : i32
        %dma_wait3A_335 = tpu.memref_slice %arg14[%sub3A_333, %dma_wait3A_334] : memref<100x80xi32, #tpu.memory_space<vmem>> -> memref<1x80xi32, #tpu.memory_space<vmem>>
        %dma_wait3A_336 = tpu.memref_squeeze %dma_wait3A_335 : memref<1x80xi32, #tpu.memory_space<vmem>> -> memref<80xi32, #tpu.memory_space<vmem>>
        %dma_wait3A_337 = arith.constant 0 : i32
        %dma_wait3A_338 = arith.constant 0 : i32
        %dma_wait3A_339 = tpu.memref_slice %arg24[%dma_wait3A_337, %dma_wait3A_338] : memref<5120x128xf32, #tpu.memory_space<vmem_shared>> -> memref<5120x128xf32, #tpu.memory_space<vmem_shared>>
        tpu.wait_indirect_dma semaphore(%arg27 : memref<!tpu.dma_semaphore, #tpu.memory_space<semaphore_mem>>) src(%arg22 : memref<80x128xf32, #tpu.memory_space<vmem>>) dst(%dma_wait3A_339 : memref<5120x128xf32, #tpu.memory_space<vmem_shared>>)
      } else {
      }
      %add3A_205 = arith.constant 5 : i32
      %add3A_206 = arith.addi %add3A_190, %add3A_205 : i32
      %sub3A = arith.constant 1 : i32
      %sub3A_207 = arith.subi %add3A_206, %sub3A : i32
      %lt3A = arith.constant 100 : i32
      %lt3A_208 = arith.cmpi slt, %sub3A_207, %lt3A : i32
      %convert_element_type3A_209 = arith.extui %lt3A_208 : i1 to i32
      %cond3A_210 = arith.constant 0 : i32
      %cond3A_211 = arith.cmpi ne, %convert_element_type3A_209, %cond3A_210 : i32
      scf.if %cond3A_211 {
        %add3A_332 = arith.constant 5 : i32
        %add3A_333 = arith.addi %add3A_190, %add3A_332 : i32
        %sub3A_334 = arith.constant 1 : i32
        %sub3A_335 = arith.subi %add3A_333, %sub3A_334 : i32
        %dma_start3A_336 = arith.constant 0 : i32
        %dma_start3A_337 = tpu.memref_slice %arg13[%sub3A_335, %dma_start3A_336] : memref<100x80xi32, #tpu.memory_space<vmem>> -> memref<1x80xi32, #tpu.memory_space<vmem>>
        %dma_start3A_338 = tpu.memref_squeeze %dma_start3A_337 : memref<1x80xi32, #tpu.memory_space<vmem>> -> memref<80xi32, #tpu.memory_space<vmem>>
        %dma_start3A_339 = arith.constant 0 : i32
        %dma_start3A_340 = arith.constant 0 : i32
        %dma_start3A_341 = tpu.memref_slice %arg2[%dma_start3A_339, %dma_start3A_340] : memref<100000x128xf32, #tpu.memory_space<hbm>> -> memref<100000x128xf32, #tpu.memory_space<hbm>>
        tpu.enqueue_indirect_dma source(%dma_start3A_341 : memref<100000x128xf32, #tpu.memory_space<hbm>>) target(%arg22 : memref<80x128xf32, #tpu.memory_space<vmem>>) offsets(%dma_start3A_338 : memref<80xi32, #tpu.memory_space<vmem>>) semaphore(%arg26 : memref<!tpu.dma_semaphore, #tpu.memory_space<semaphore_mem>>)
      } else {
      }
      %mul3A_212 = arith.constant 5 : i32
      %mul3A_213 = arith.muli %mul3A_212, %scan3A_186 : i32
      %add3A_214 = arith.constant 1 : i32
      %add3A_215 = arith.addi %mul3A_213, %add3A_214 : i32
      %dma_wait3A_216 = arith.constant 0 : i32
      %dma_wait3A_217 = tpu.memref_slice %arg13[%add3A_215, %dma_wait3A_216] : memref<100x80xi32, #tpu.memory_space<vmem>> -> memref<1x80xi32, #tpu.memory_space<vmem>>
      %dma_wait3A_218 = tpu.memref_squeeze %dma_wait3A_217 : memref<1x80xi32, #tpu.memory_space<vmem>> -> memref<80xi32, #tpu.memory_space<vmem>>
      %dma_wait3A_219 = arith.constant 0 : i32
      %dma_wait3A_220 = arith.constant 0 : i32
      %dma_wait3A_221 = tpu.memref_slice %arg2[%dma_wait3A_219, %dma_wait3A_220] : memref<100000x128xf32, #tpu.memory_space<hbm>> -> memref<100000x128xf32, #tpu.memory_space<hbm>>
      tpu.wait_indirect_dma semaphore(%arg26 : memref<!tpu.dma_semaphore, #tpu.memory_space<semaphore_mem>>) src(%dma_wait3A_221 : memref<100000x128xf32, #tpu.memory_space<hbm>>) dst(%arg19 : memref<80x128xf32, #tpu.memory_space<vmem>>)
      %dma_start3A_222 = arith.constant 0 : i32
      %dma_start3A_223 = tpu.memref_slice %arg14[%add3A_215, %dma_start3A_222] : memref<100x80xi32, #tpu.memory_space<vmem>> -> memref<1x80xi32, #tpu.memory_space<vmem>>
      %dma_start3A_224 = tpu.memref_squeeze %dma_start3A_223 : memref<1x80xi32, #tpu.memory_space<vmem>> -> memref<80xi32, #tpu.memory_space<vmem>>
      %dma_start3A_225 = arith.constant 0 : i32
      %dma_start3A_226 = arith.constant 0 : i32
      %dma_start3A_227 = tpu.memref_slice %arg24[%dma_start3A_225, %dma_start3A_226] : memref<5120x128xf32, #tpu.memory_space<vmem_shared>> -> memref<5120x128xf32, #tpu.memory_space<vmem_shared>>
      tpu.enqueue_indirect_dma source(%arg19 : memref<80x128xf32, #tpu.memory_space<vmem>>) target(%dma_start3A_227 : memref<5120x128xf32, #tpu.memory_space<vmem_shared>>) offsets(%dma_start3A_224 : memref<80xi32, #tpu.memory_space<vmem>>) semaphore(%arg27 : memref<!tpu.dma_semaphore, #tpu.memory_space<semaphore_mem>>) {add = true}
      %ge3A_228 = arith.constant 1 : i32
      %ge3A_229 = arith.cmpi sge, %add3A_215, %ge3A_228 : i32
      %convert_element_type3A_230 = arith.extui %ge3A_229 : i1 to i32
      %cond3A_231 = arith.constant 0 : i32
      %cond3A_232 = arith.cmpi ne, %convert_element_type3A_230, %cond3A_231 : i32
      scf.if %cond3A_232 {
        %sub3A_332 = arith.constant 1 : i32
        %sub3A_333 = arith.subi %add3A_215, %sub3A_332 : i32
        %dma_wait3A_334 = arith.constant 0 : i32
        %dma_wait3A_335 = tpu.memref_slice %arg14[%sub3A_333, %dma_wait3A_334] : memref<100x80xi32, #tpu.memory_space<vmem>> -> memref<1x80xi32, #tpu.memory_space<vmem>>
        %dma_wait3A_336 = tpu.memref_squeeze %dma_wait3A_335 : memref<1x80xi32, #tpu.memory_space<vmem>> -> memref<80xi32, #tpu.memory_space<vmem>>
        %dma_wait3A_337 = arith.constant 0 : i32
        %dma_wait3A_338 = arith.constant 0 : i32
        %dma_wait3A_339 = tpu.memref_slice %arg24[%dma_wait3A_337, %dma_wait3A_338] : memref<5120x128xf32, #tpu.memory_space<vmem_shared>> -> memref<5120x128xf32, #tpu.memory_space<vmem_shared>>
        tpu.wait_indirect_dma semaphore(%arg27 : memref<!tpu.dma_semaphore, #tpu.memory_space<semaphore_mem>>) src(%arg18 : memref<80x128xf32, #tpu.memory_space<vmem>>) dst(%dma_wait3A_339 : memref<5120x128xf32, #tpu.memory_space<vmem_shared>>)
      } else {
      }
      %add3A_233 = arith.constant 5 : i32
      %add3A_234 = arith.addi %add3A_215, %add3A_233 : i32
      %sub3A_235 = arith.constant 1 : i32
      %sub3A_236 = arith.subi %add3A_234, %sub3A_235 : i32
      %lt3A_237 = arith.constant 100 : i32
      %lt3A_238 = arith.cmpi slt, %sub3A_236, %lt3A_237 : i32
      %convert_element_type3A_239 = arith.extui %lt3A_238 : i1 to i32
      %cond3A_240 = arith.constant 0 : i32
      %cond3A_241 = arith.cmpi ne, %convert_element_type3A_239, %cond3A_240 : i32
      scf.if %cond3A_241 {
        %add3A_332 = arith.constant 5 : i32
        %add3A_333 = arith.addi %add3A_215, %add3A_332 : i32
        %sub3A_334 = arith.constant 1 : i32
        %sub3A_335 = arith.subi %add3A_333, %sub3A_334 : i32
        %dma_start3A_336 = arith.constant 0 : i32
        %dma_start3A_337 = tpu.memref_slice %arg13[%sub3A_335, %dma_start3A_336] : memref<100x80xi32, #tpu.memory_space<vmem>> -> memref<1x80xi32, #tpu.memory_space<vmem>>
        %dma_start3A_338 = tpu.memref_squeeze %dma_start3A_337 : memref<1x80xi32, #tpu.memory_space<vmem>> -> memref<80xi32, #tpu.memory_space<vmem>>
        %dma_start3A_339 = arith.constant 0 : i32
        %dma_start3A_340 = arith.constant 0 : i32
        %dma_start3A_341 = tpu.memref_slice %arg2[%dma_start3A_339, %dma_start3A_340] : memref<100000x128xf32, #tpu.memory_space<hbm>> -> memref<100000x128xf32, #tpu.memory_space<hbm>>
        tpu.enqueue_indirect_dma source(%dma_start3A_341 : memref<100000x128xf32, #tpu.memory_space<hbm>>) target(%arg18 : memref<80x128xf32, #tpu.memory_space<vmem>>) offsets(%dma_start3A_338 : memref<80xi32, #tpu.memory_space<vmem>>) semaphore(%arg26 : memref<!tpu.dma_semaphore, #tpu.memory_space<semaphore_mem>>)
      } else {
      }
      %mul3A_242 = arith.constant 5 : i32
      %mul3A_243 = arith.muli %mul3A_242, %scan3A_186 : i32
      %add3A_244 = arith.constant 2 : i32
      %add3A_245 = arith.addi %mul3A_243, %add3A_244 : i32
      %dma_wait3A_246 = arith.constant 0 : i32
      %dma_wait3A_247 = tpu.memref_slice %arg13[%add3A_245, %dma_wait3A_246] : memref<100x80xi32, #tpu.memory_space<vmem>> -> memref<1x80xi32, #tpu.memory_space<vmem>>
      %dma_wait3A_248 = tpu.memref_squeeze %dma_wait3A_247 : memref<1x80xi32, #tpu.memory_space<vmem>> -> memref<80xi32, #tpu.memory_space<vmem>>
      %dma_wait3A_249 = arith.constant 0 : i32
      %dma_wait3A_250 = arith.constant 0 : i32
      %dma_wait3A_251 = tpu.memref_slice %arg2[%dma_wait3A_249, %dma_wait3A_250] : memref<100000x128xf32, #tpu.memory_space<hbm>> -> memref<100000x128xf32, #tpu.memory_space<hbm>>
      tpu.wait_indirect_dma semaphore(%arg26 : memref<!tpu.dma_semaphore, #tpu.memory_space<semaphore_mem>>) src(%dma_wait3A_251 : memref<100000x128xf32, #tpu.memory_space<hbm>>) dst(%arg20 : memref<80x128xf32, #tpu.memory_space<vmem>>)
      %dma_start3A_252 = arith.constant 0 : i32
      %dma_start3A_253 = tpu.memref_slice %arg14[%add3A_245, %dma_start3A_252] : memref<100x80xi32, #tpu.memory_space<vmem>> -> memref<1x80xi32, #tpu.memory_space<vmem>>
      %dma_start3A_254 = tpu.memref_squeeze %dma_start3A_253 : memref<1x80xi32, #tpu.memory_space<vmem>> -> memref<80xi32, #tpu.memory_space<vmem>>
      %dma_start3A_255 = arith.constant 0 : i32
      %dma_start3A_256 = arith.constant 0 : i32
      %dma_start3A_257 = tpu.memref_slice %arg24[%dma_start3A_255, %dma_start3A_256] : memref<5120x128xf32, #tpu.memory_space<vmem_shared>> -> memref<5120x128xf32, #tpu.memory_space<vmem_shared>>
      tpu.enqueue_indirect_dma source(%arg20 : memref<80x128xf32, #tpu.memory_space<vmem>>) target(%dma_start3A_257 : memref<5120x128xf32, #tpu.memory_space<vmem_shared>>) offsets(%dma_start3A_254 : memref<80xi32, #tpu.memory_space<vmem>>) semaphore(%arg27 : memref<!tpu.dma_semaphore, #tpu.memory_space<semaphore_mem>>) {add = true}
      %ge3A_258 = arith.constant 1 : i32
      %ge3A_259 = arith.cmpi sge, %add3A_245, %ge3A_258 : i32
      %convert_element_type3A_260 = arith.extui %ge3A_259 : i1 to i32
      %cond3A_261 = arith.constant 0 : i32
      %cond3A_262 = arith.cmpi ne, %convert_element_type3A_260, %cond3A_261 : i32
      scf.if %cond3A_262 {
        %sub3A_332 = arith.constant 1 : i32
        %sub3A_333 = arith.subi %add3A_245, %sub3A_332 : i32
        %dma_wait3A_334 = arith.constant 0 : i32
        %dma_wait3A_335 = tpu.memref_slice %arg14[%sub3A_333, %dma_wait3A_334] : memref<100x80xi32, #tpu.memory_space<vmem>> -> memref<1x80xi32, #tpu.memory_space<vmem>>
        %dma_wait3A_336 = tpu.memref_squeeze %dma_wait3A_335 : memref<1x80xi32, #tpu.memory_space<vmem>> -> memref<80xi32, #tpu.memory_space<vmem>>
        %dma_wait3A_337 = arith.constant 0 : i32
        %dma_wait3A_338 = arith.constant 0 : i32
        %dma_wait3A_339 = tpu.memref_slice %arg24[%dma_wait3A_337, %dma_wait3A_338] : memref<5120x128xf32, #tpu.memory_space<vmem_shared>> -> memref<5120x128xf32, #tpu.memory_space<vmem_shared>>
        tpu.wait_indirect_dma semaphore(%arg27 : memref<!tpu.dma_semaphore, #tpu.memory_space<semaphore_mem>>) src(%arg19 : memref<80x128xf32, #tpu.memory_space<vmem>>) dst(%dma_wait3A_339 : memref<5120x128xf32, #tpu.memory_space<vmem_shared>>)
      } else {
      }
      %add3A_263 = arith.constant 5 : i32
      %add3A_264 = arith.addi %add3A_245, %add3A_263 : i32
      %sub3A_265 = arith.constant 1 : i32
      %sub3A_266 = arith.subi %add3A_264, %sub3A_265 : i32
      %lt3A_267 = arith.constant 100 : i32
      %lt3A_268 = arith.cmpi slt, %sub3A_266, %lt3A_267 : i32
      %convert_element_type3A_269 = arith.extui %lt3A_268 : i1 to i32
      %cond3A_270 = arith.constant 0 : i32
      %cond3A_271 = arith.cmpi ne, %convert_element_type3A_269, %cond3A_270 : i32
      scf.if %cond3A_271 {
        %add3A_332 = arith.constant 5 : i32
        %add3A_333 = arith.addi %add3A_245, %add3A_332 : i32
        %sub3A_334 = arith.constant 1 : i32
        %sub3A_335 = arith.subi %add3A_333, %sub3A_334 : i32
        %dma_start3A_336 = arith.constant 0 : i32
        %dma_start3A_337 = tpu.memref_slice %arg13[%sub3A_335, %dma_start3A_336] : memref<100x80xi32, #tpu.memory_space<vmem>> -> memref<1x80xi32, #tpu.memory_space<vmem>>
        %dma_start3A_338 = tpu.memref_squeeze %dma_start3A_337 : memref<1x80xi32, #tpu.memory_space<vmem>> -> memref<80xi32, #tpu.memory_space<vmem>>
        %dma_start3A_339 = arith.constant 0 : i32
        %dma_start3A_340 = arith.constant 0 : i32
        %dma_start3A_341 = tpu.memref_slice %arg2[%dma_start3A_339, %dma_start3A_340] : memref<100000x128xf32, #tpu.memory_space<hbm>> -> memref<100000x128xf32, #tpu.memory_space<hbm>>
        tpu.enqueue_indirect_dma source(%dma_start3A_341 : memref<100000x128xf32, #tpu.memory_space<hbm>>) target(%arg19 : memref<80x128xf32, #tpu.memory_space<vmem>>) offsets(%dma_start3A_338 : memref<80xi32, #tpu.memory_space<vmem>>) semaphore(%arg26 : memref<!tpu.dma_semaphore, #tpu.memory_space<semaphore_mem>>)
      } else {
      }
      %mul3A_272 = arith.constant 5 : i32
      %mul3A_273 = arith.muli %mul3A_272, %scan3A_186 : i32
      %add3A_274 = arith.constant 3 : i32
      %add3A_275 = arith.addi %mul3A_273, %add3A_274 : i32
      %dma_wait3A_276 = arith.constant 0 : i32
      %dma_wait3A_277 = tpu.memref_slice %arg13[%add3A_275, %dma_wait3A_276] : memref<100x80xi32, #tpu.memory_space<vmem>> -> memref<1x80xi32, #tpu.memory_space<vmem>>
      %dma_wait3A_278 = tpu.memref_squeeze %dma_wait3A_277 : memref<1x80xi32, #tpu.memory_space<vmem>> -> memref<80xi32, #tpu.memory_space<vmem>>
      %dma_wait3A_279 = arith.constant 0 : i32
      %dma_wait3A_280 = arith.constant 0 : i32
      %dma_wait3A_281 = tpu.memref_slice %arg2[%dma_wait3A_279, %dma_wait3A_280] : memref<100000x128xf32, #tpu.memory_space<hbm>> -> memref<100000x128xf32, #tpu.memory_space<hbm>>
      tpu.wait_indirect_dma semaphore(%arg26 : memref<!tpu.dma_semaphore, #tpu.memory_space<semaphore_mem>>) src(%dma_wait3A_281 : memref<100000x128xf32, #tpu.memory_space<hbm>>) dst(%arg21 : memref<80x128xf32, #tpu.memory_space<vmem>>)
      %dma_start3A_282 = arith.constant 0 : i32
      %dma_start3A_283 = tpu.memref_slice %arg14[%add3A_275, %dma_start3A_282] : memref<100x80xi32, #tpu.memory_space<vmem>> -> memref<1x80xi32, #tpu.memory_space<vmem>>
      %dma_start3A_284 = tpu.memref_squeeze %dma_start3A_283 : memref<1x80xi32, #tpu.memory_space<vmem>> -> memref<80xi32, #tpu.memory_space<vmem>>
      %dma_start3A_285 = arith.constant 0 : i32
      %dma_start3A_286 = arith.constant 0 : i32
      %dma_start3A_287 = tpu.memref_slice %arg24[%dma_start3A_285, %dma_start3A_286] : memref<5120x128xf32, #tpu.memory_space<vmem_shared>> -> memref<5120x128xf32, #tpu.memory_space<vmem_shared>>
      tpu.enqueue_indirect_dma source(%arg21 : memref<80x128xf32, #tpu.memory_space<vmem>>) target(%dma_start3A_287 : memref<5120x128xf32, #tpu.memory_space<vmem_shared>>) offsets(%dma_start3A_284 : memref<80xi32, #tpu.memory_space<vmem>>) semaphore(%arg27 : memref<!tpu.dma_semaphore, #tpu.memory_space<semaphore_mem>>) {add = true}
      %ge3A_288 = arith.constant 1 : i32
      %ge3A_289 = arith.cmpi sge, %add3A_275, %ge3A_288 : i32
      %convert_element_type3A_290 = arith.extui %ge3A_289 : i1 to i32
      %cond3A_291 = arith.constant 0 : i32
      %cond3A_292 = arith.cmpi ne, %convert_element_type3A_290, %cond3A_291 : i32
      scf.if %cond3A_292 {
        %sub3A_332 = arith.constant 1 : i32
        %sub3A_333 = arith.subi %add3A_275, %sub3A_332 : i32
        %dma_wait3A_334 = arith.constant 0 : i32
        %dma_wait3A_335 = tpu.memref_slice %arg14[%sub3A_333, %dma_wait3A_334] : memref<100x80xi32, #tpu.memory_space<vmem>> -> memref<1x80xi32, #tpu.memory_space<vmem>>
        %dma_wait3A_336 = tpu.memref_squeeze %dma_wait3A_335 : memref<1x80xi32, #tpu.memory_space<vmem>> -> memref<80xi32, #tpu.memory_space<vmem>>
        %dma_wait3A_337 = arith.constant 0 : i32
        %dma_wait3A_338 = arith.constant 0 : i32
        %dma_wait3A_339 = tpu.memref_slice %arg24[%dma_wait3A_337, %dma_wait3A_338] : memref<5120x128xf32, #tpu.memory_space<vmem_shared>> -> memref<5120x128xf32, #tpu.memory_space<vmem_shared>>
        tpu.wait_indirect_dma semaphore(%arg27 : memref<!tpu.dma_semaphore, #tpu.memory_space<semaphore_mem>>) src(%arg20 : memref<80x128xf32, #tpu.memory_space<vmem>>) dst(%dma_wait3A_339 : memref<5120x128xf32, #tpu.memory_space<vmem_shared>>)
      } else {
      }
      %add3A_293 = arith.constant 5 : i32
      %add3A_294 = arith.addi %add3A_275, %add3A_293 : i32
      %sub3A_295 = arith.constant 1 : i32
      %sub3A_296 = arith.subi %add3A_294, %sub3A_295 : i32
      %lt3A_297 = arith.constant 100 : i32
      %lt3A_298 = arith.cmpi slt, %sub3A_296, %lt3A_297 : i32
      %convert_element_type3A_299 = arith.extui %lt3A_298 : i1 to i32
      %cond3A_300 = arith.constant 0 : i32
      %cond3A_301 = arith.cmpi ne, %convert_element_type3A_299, %cond3A_300 : i32
      scf.if %cond3A_301 {
        %add3A_332 = arith.constant 5 : i32
        %add3A_333 = arith.addi %add3A_275, %add3A_332 : i32
        %sub3A_334 = arith.constant 1 : i32
        %sub3A_335 = arith.subi %add3A_333, %sub3A_334 : i32
        %dma_start3A_336 = arith.constant 0 : i32
        %dma_start3A_337 = tpu.memref_slice %arg13[%sub3A_335, %dma_start3A_336] : memref<100x80xi32, #tpu.memory_space<vmem>> -> memref<1x80xi32, #tpu.memory_space<vmem>>
        %dma_start3A_338 = tpu.memref_squeeze %dma_start3A_337 : memref<1x80xi32, #tpu.memory_space<vmem>> -> memref<80xi32, #tpu.memory_space<vmem>>
        %dma_start3A_339 = arith.constant 0 : i32
        %dma_start3A_340 = arith.constant 0 : i32
        %dma_start3A_341 = tpu.memref_slice %arg2[%dma_start3A_339, %dma_start3A_340] : memref<100000x128xf32, #tpu.memory_space<hbm>> -> memref<100000x128xf32, #tpu.memory_space<hbm>>
        tpu.enqueue_indirect_dma source(%dma_start3A_341 : memref<100000x128xf32, #tpu.memory_space<hbm>>) target(%arg20 : memref<80x128xf32, #tpu.memory_space<vmem>>) offsets(%dma_start3A_338 : memref<80xi32, #tpu.memory_space<vmem>>) semaphore(%arg26 : memref<!tpu.dma_semaphore, #tpu.memory_space<semaphore_mem>>)
      } else {
      }
      %mul3A_302 = arith.constant 5 : i32
      %mul3A_303 = arith.muli %mul3A_302, %scan3A_186 : i32
      %add3A_304 = arith.constant 4 : i32
      %add3A_305 = arith.addi %mul3A_303, %add3A_304 : i32
      %dma_wait3A_306 = arith.constant 0 : i32
      %dma_wait3A_307 = tpu.memref_slice %arg13[%add3A_305, %dma_wait3A_306] : memref<100x80xi32, #tpu.memory_space<vmem>> -> memref<1x80xi32, #tpu.memory_space<vmem>>
      %dma_wait3A_308 = tpu.memref_squeeze %dma_wait3A_307 : memref<1x80xi32, #tpu.memory_space<vmem>> -> memref<80xi32, #tpu.memory_space<vmem>>
      %dma_wait3A_309 = arith.constant 0 : i32
      %dma_wait3A_310 = arith.constant 0 : i32
      %dma_wait3A_311 = tpu.memref_slice %arg2[%dma_wait3A_309, %dma_wait3A_310] : memref<100000x128xf32, #tpu.memory_space<hbm>> -> memref<100000x128xf32, #tpu.memory_space<hbm>>
      tpu.wait_indirect_dma semaphore(%arg26 : memref<!tpu.dma_semaphore, #tpu.memory_space<semaphore_mem>>) src(%dma_wait3A_311 : memref<100000x128xf32, #tpu.memory_space<hbm>>) dst(%arg22 : memref<80x128xf32, #tpu.memory_space<vmem>>)
      %dma_start3A_312 = arith.constant 0 : i32
      %dma_start3A_313 = tpu.memref_slice %arg14[%add3A_305, %dma_start3A_312] : memref<100x80xi32, #tpu.memory_space<vmem>> -> memref<1x80xi32, #tpu.memory_space<vmem>>
      %dma_start3A_314 = tpu.memref_squeeze %dma_start3A_313 : memref<1x80xi32, #tpu.memory_space<vmem>> -> memref<80xi32, #tpu.memory_space<vmem>>
      %dma_start3A_315 = arith.constant 0 : i32
      %dma_start3A_316 = arith.constant 0 : i32
      %dma_start3A_317 = tpu.memref_slice %arg24[%dma_start3A_315, %dma_start3A_316] : memref<5120x128xf32, #tpu.memory_space<vmem_shared>> -> memref<5120x128xf32, #tpu.memory_space<vmem_shared>>
      tpu.enqueue_indirect_dma source(%arg22 : memref<80x128xf32, #tpu.memory_space<vmem>>) target(%dma_start3A_317 : memref<5120x128xf32, #tpu.memory_space<vmem_shared>>) offsets(%dma_start3A_314 : memref<80xi32, #tpu.memory_space<vmem>>) semaphore(%arg27 : memref<!tpu.dma_semaphore, #tpu.memory_space<semaphore_mem>>) {add = true}
      %ge3A_318 = arith.constant 1 : i32
      %ge3A_319 = arith.cmpi sge, %add3A_305, %ge3A_318 : i32
      %convert_element_type3A_320 = arith.extui %ge3A_319 : i1 to i32
      %cond3A_321 = arith.constant 0 : i32
      %cond3A_322 = arith.cmpi ne, %convert_element_type3A_320, %cond3A_321 : i32
      scf.if %cond3A_322 {
        %sub3A_332 = arith.constant 1 : i32
        %sub3A_333 = arith.subi %add3A_305, %sub3A_332 : i32
        %dma_wait3A_334 = arith.constant 0 : i32
        %dma_wait3A_335 = tpu.memref_slice %arg14[%sub3A_333, %dma_wait3A_334] : memref<100x80xi32, #tpu.memory_space<vmem>> -> memref<1x80xi32, #tpu.memory_space<vmem>>
        %dma_wait3A_336 = tpu.memref_squeeze %dma_wait3A_335 : memref<1x80xi32, #tpu.memory_space<vmem>> -> memref<80xi32, #tpu.memory_space<vmem>>
        %dma_wait3A_337 = arith.constant 0 : i32
        %dma_wait3A_338 = arith.constant 0 : i32
        %dma_wait3A_339 = tpu.memref_slice %arg24[%dma_wait3A_337, %dma_wait3A_338] : memref<5120x128xf32, #tpu.memory_space<vmem_shared>> -> memref<5120x128xf32, #tpu.memory_space<vmem_shared>>
        tpu.wait_indirect_dma semaphore(%arg27 : memref<!tpu.dma_semaphore, #tpu.memory_space<semaphore_mem>>) src(%arg21 : memref<80x128xf32, #tpu.memory_space<vmem>>) dst(%dma_wait3A_339 : memref<5120x128xf32, #tpu.memory_space<vmem_shared>>)
      } else {
      }
      %add3A_323 = arith.constant 5 : i32
      %add3A_324 = arith.addi %add3A_305, %add3A_323 : i32
      %sub3A_325 = arith.constant 1 : i32
      %sub3A_326 = arith.subi %add3A_324, %sub3A_325 : i32
      %lt3A_327 = arith.constant 100 : i32
      %lt3A_328 = arith.cmpi slt, %sub3A_326, %lt3A_327 : i32
      %convert_element_type3A_329 = arith.extui %lt3A_328 : i1 to i32
      %cond3A_330 = arith.constant 0 : i32
      %cond3A_331 = arith.cmpi ne, %convert_element_type3A_329, %cond3A_330 : i32
      scf.if %cond3A_331 {
        %add3A_332 = arith.constant 5 : i32
        %add3A_333 = arith.addi %add3A_305, %add3A_332 : i32
        %sub3A_334 = arith.constant 1 : i32
        %sub3A_335 = arith.subi %add3A_333, %sub3A_334 : i32
        %dma_start3A_336 = arith.constant 0 : i32
        %dma_start3A_337 = tpu.memref_slice %arg13[%sub3A_335, %dma_start3A_336] : memref<100x80xi32, #tpu.memory_space<vmem>> -> memref<1x80xi32, #tpu.memory_space<vmem>>
        %dma_start3A_338 = tpu.memref_squeeze %dma_start3A_337 : memref<1x80xi32, #tpu.memory_space<vmem>> -> memref<80xi32, #tpu.memory_space<vmem>>
        %dma_start3A_339 = arith.constant 0 : i32
        %dma_start3A_340 = arith.constant 0 : i32
        %dma_start3A_341 = tpu.memref_slice %arg2[%dma_start3A_339, %dma_start3A_340] : memref<100000x128xf32, #tpu.memory_space<hbm>> -> memref<100000x128xf32, #tpu.memory_space<hbm>>
        tpu.enqueue_indirect_dma source(%dma_start3A_341 : memref<100000x128xf32, #tpu.memory_space<hbm>>) target(%arg21 : memref<80x128xf32, #tpu.memory_space<vmem>>) offsets(%dma_start3A_338 : memref<80xi32, #tpu.memory_space<vmem>>) semaphore(%arg26 : memref<!tpu.dma_semaphore, #tpu.memory_space<semaphore_mem>>)
      } else {
      }
    }
    %scan3A_43 = arith.constant 20 : i32
    %dma_wait3A = arith.constant 99 : i32
    %dma_wait3A_44 = arith.constant 0 : i32
    %dma_wait3A_45 = tpu.memref_slice %arg14[%dma_wait3A, %dma_wait3A_44] : memref<100x80xi32, #tpu.memory_space<vmem>> -> memref<1x80xi32, #tpu.memory_space<vmem>>
    %dma_wait3A_46 = tpu.memref_squeeze %dma_wait3A_45 : memref<1x80xi32, #tpu.memory_space<vmem>> -> memref<80xi32, #tpu.memory_space<vmem>>
    %dma_wait3A_47 = arith.constant 0 : i32
    %dma_wait3A_48 = arith.constant 0 : i32
    %dma_wait3A_49 = tpu.memref_slice %arg24[%dma_wait3A_47, %dma_wait3A_48] : memref<5120x128xf32, #tpu.memory_space<vmem_shared>> -> memref<5120x128xf32, #tpu.memory_space<vmem_shared>>
    tpu.wait_indirect_dma semaphore(%arg27 : memref<!tpu.dma_semaphore, #tpu.memory_space<semaphore_mem>>) src(%arg22 : memref<80x128xf32, #tpu.memory_space<vmem>>) dst(%dma_wait3A_49 : memref<5120x128xf32, #tpu.memory_space<vmem_shared>>)
    %dma_start3A_50 = arith.constant 0 : i32
    %dma_start3A_51 = arith.constant 0 : i32
    %dma_start3A_52 = tpu.memref_slice %arg15[%dma_start3A_50, %dma_start3A_51] : memref<4x80xi32, #tpu.memory_space<vmem>> -> memref<1x80xi32, #tpu.memory_space<vmem>>
    %dma_start3A_53 = tpu.memref_squeeze %dma_start3A_52 : memref<1x80xi32, #tpu.memory_space<vmem>> -> memref<80xi32, #tpu.memory_space<vmem>>
    %dma_start3A_54 = arith.constant 0 : i32
    %dma_start3A_55 = arith.constant 0 : i32
    %dma_start3A_56 = tpu.memref_slice %arg2[%dma_start3A_54, %dma_start3A_55] : memref<100000x128xf32, #tpu.memory_space<hbm>> -> memref<100000x128xf32, #tpu.memory_space<hbm>>
    tpu.enqueue_indirect_dma source(%dma_start3A_56 : memref<100000x128xf32, #tpu.memory_space<hbm>>) target(%arg18 : memref<80x128xf32, #tpu.memory_space<vmem>>) offsets(%dma_start3A_53 : memref<80xi32, #tpu.memory_space<vmem>>) semaphore(%arg26 : memref<!tpu.dma_semaphore, #tpu.memory_space<semaphore_mem>>)
    %dma_start3A_57 = arith.constant 1 : i32
    %dma_start3A_58 = arith.constant 0 : i32
    %dma_start3A_59 = tpu.memref_slice %arg15[%dma_start3A_57, %dma_start3A_58] : memref<4x80xi32, #tpu.memory_space<vmem>> -> memref<1x80xi32, #tpu.memory_space<vmem>>
    %dma_start3A_60 = tpu.memref_squeeze %dma_start3A_59 : memref<1x80xi32, #tpu.memory_space<vmem>> -> memref<80xi32, #tpu.memory_space<vmem>>
    %dma_start3A_61 = arith.constant 0 : i32
    %dma_start3A_62 = arith.constant 0 : i32
    %dma_start3A_63 = tpu.memref_slice %arg2[%dma_start3A_61, %dma_start3A_62] : memref<100000x128xf32, #tpu.memory_space<hbm>> -> memref<100000x128xf32, #tpu.memory_space<hbm>>
    tpu.enqueue_indirect_dma source(%dma_start3A_63 : memref<100000x128xf32, #tpu.memory_space<hbm>>) target(%arg19 : memref<80x128xf32, #tpu.memory_space<vmem>>) offsets(%dma_start3A_60 : memref<80xi32, #tpu.memory_space<vmem>>) semaphore(%arg26 : memref<!tpu.dma_semaphore, #tpu.memory_space<semaphore_mem>>)
    %dma_start3A_64 = arith.constant 2 : i32
    %dma_start3A_65 = arith.constant 0 : i32
    %dma_start3A_66 = tpu.memref_slice %arg15[%dma_start3A_64, %dma_start3A_65] : memref<4x80xi32, #tpu.memory_space<vmem>> -> memref<1x80xi32, #tpu.memory_space<vmem>>
    %dma_start3A_67 = tpu.memref_squeeze %dma_start3A_66 : memref<1x80xi32, #tpu.memory_space<vmem>> -> memref<80xi32, #tpu.memory_space<vmem>>
    %dma_start3A_68 = arith.constant 0 : i32
    %dma_start3A_69 = arith.constant 0 : i32
    %dma_start3A_70 = tpu.memref_slice %arg2[%dma_start3A_68, %dma_start3A_69] : memref<100000x128xf32, #tpu.memory_space<hbm>> -> memref<100000x128xf32, #tpu.memory_space<hbm>>
    tpu.enqueue_indirect_dma source(%dma_start3A_70 : memref<100000x128xf32, #tpu.memory_space<hbm>>) target(%arg20 : memref<80x128xf32, #tpu.memory_space<vmem>>) offsets(%dma_start3A_67 : memref<80xi32, #tpu.memory_space<vmem>>) semaphore(%arg26 : memref<!tpu.dma_semaphore, #tpu.memory_space<semaphore_mem>>)
    %dma_start3A_71 = arith.constant 3 : i32
    %dma_start3A_72 = arith.constant 0 : i32
    %dma_start3A_73 = tpu.memref_slice %arg15[%dma_start3A_71, %dma_start3A_72] : memref<4x80xi32, #tpu.memory_space<vmem>> -> memref<1x80xi32, #tpu.memory_space<vmem>>
    %dma_start3A_74 = tpu.memref_squeeze %dma_start3A_73 : memref<1x80xi32, #tpu.memory_space<vmem>> -> memref<80xi32, #tpu.memory_space<vmem>>
    %dma_start3A_75 = arith.constant 0 : i32
    %dma_start3A_76 = arith.constant 0 : i32
    %dma_start3A_77 = tpu.memref_slice %arg2[%dma_start3A_75, %dma_start3A_76] : memref<100000x128xf32, #tpu.memory_space<hbm>> -> memref<100000x128xf32, #tpu.memory_space<hbm>>
    tpu.enqueue_indirect_dma source(%dma_start3A_77 : memref<100000x128xf32, #tpu.memory_space<hbm>>) target(%arg21 : memref<80x128xf32, #tpu.memory_space<vmem>>) offsets(%dma_start3A_74 : memref<80xi32, #tpu.memory_space<vmem>>) semaphore(%arg26 : memref<!tpu.dma_semaphore, #tpu.memory_space<semaphore_mem>>)
    %dma_wait3A_78 = arith.constant 0 : i32
    %dma_wait3A_79 = arith.constant 0 : i32
    %dma_wait3A_80 = tpu.memref_slice %arg15[%dma_wait3A_78, %dma_wait3A_79] : memref<4x80xi32, #tpu.memory_space<vmem>> -> memref<1x80xi32, #tpu.memory_space<vmem>>
    %dma_wait3A_81 = tpu.memref_squeeze %dma_wait3A_80 : memref<1x80xi32, #tpu.memory_space<vmem>> -> memref<80xi32, #tpu.memory_space<vmem>>
    %dma_wait3A_82 = arith.constant 0 : i32
    %dma_wait3A_83 = arith.constant 0 : i32
    %dma_wait3A_84 = tpu.memref_slice %arg2[%dma_wait3A_82, %dma_wait3A_83] : memref<100000x128xf32, #tpu.memory_space<hbm>> -> memref<100000x128xf32, #tpu.memory_space<hbm>>
    tpu.wait_indirect_dma semaphore(%arg26 : memref<!tpu.dma_semaphore, #tpu.memory_space<semaphore_mem>>) src(%dma_wait3A_84 : memref<100000x128xf32, #tpu.memory_space<hbm>>) dst(%arg18 : memref<80x128xf32, #tpu.memory_space<vmem>>)
    %mul3A_85 = arith.constant 320 : i32
    %mul3A_86 = arith.muli %add3A, %mul3A_85 : i32
    %add3A_87 = arith.constant 0 : i32
    %add3A_88 = arith.addi %mul3A_86, %add3A_87 : i32
    %dma_start3A_89 = arith.constant 0 : i32
    %dma_start3A_90 = tpu.memref_slice %arg10[%add3A_88, %dma_start3A_89] : memref<10240x128xf32, #tpu.memory_space<hbm>> -> memref<80x128xf32, #tpu.memory_space<hbm>>
    %dma_start3A_91 = arith.constant 0 : i32
    %dma_start3A_92 = tpu.memref_slice %arg10[%add3A_88, %dma_start3A_91] : memref<10240x128xf32, #tpu.memory_space<hbm>> -> memref<80x128xf32, #tpu.memory_space<hbm>>
    tpu.enqueue_dma source(%arg18 : memref<80x128xf32, #tpu.memory_space<vmem>>) target(%dma_start3A_92 : memref<80x128xf32, #tpu.memory_space<hbm>>) target_semaphore(%arg27 : memref<!tpu.dma_semaphore, #tpu.memory_space<semaphore_mem>>)
    %run_scoped3A = arith.constant 0 : i32
    "tpu.region"() ({
      %run_scoped3A_186 = tpu.sem_alloc : memref<!tpu.dma_semaphore, #tpu.memory_space<semaphore_mem>>
      %dma_start3A_187 = arith.constant 0 : i32
      %dma_start3A_188 = tpu.memref_slice %arg16[%run_scoped3A, %dma_start3A_187] : memref<4x80xi32, #tpu.memory_space<vmem>> -> memref<1x80xi32, #tpu.memory_space<vmem>>
      %dma_start3A_189 = tpu.memref_squeeze %dma_start3A_188 : memref<1x80xi32, #tpu.memory_space<vmem>> -> memref<80xi32, #tpu.memory_space<vmem>>
      %dma_start3A_190 = arith.constant 0 : i32
      %dma_start3A_191 = arith.constant 0 : i32
      %dma_start3A_192 = tpu.memref_slice %arg25[%dma_start3A_190, %dma_start3A_191] : memref<512x128xf32, #tpu.memory_space<vmem_shared>> -> memref<512x128xf32, #tpu.memory_space<vmem_shared>>
      tpu.enqueue_indirect_dma source(%arg18 : memref<80x128xf32, #tpu.memory_space<vmem>>) target(%dma_start3A_192 : memref<512x128xf32, #tpu.memory_space<vmem_shared>>) offsets(%dma_start3A_189 : memref<80xi32, #tpu.memory_space<vmem>>) semaphore(%run_scoped3A_186 : memref<!tpu.dma_semaphore, #tpu.memory_space<semaphore_mem>>) {add = true}
      %dma_wait3A_193 = arith.constant 0 : i32
      %dma_wait3A_194 = tpu.memref_slice %arg16[%run_scoped3A, %dma_wait3A_193] : memref<4x80xi32, #tpu.memory_space<vmem>> -> memref<1x80xi32, #tpu.memory_space<vmem>>
      %dma_wait3A_195 = tpu.memref_squeeze %dma_wait3A_194 : memref<1x80xi32, #tpu.memory_space<vmem>> -> memref<80xi32, #tpu.memory_space<vmem>>
      %dma_wait3A_196 = arith.constant 0 : i32
      %dma_wait3A_197 = arith.constant 0 : i32
      %dma_wait3A_198 = tpu.memref_slice %arg25[%dma_wait3A_196, %dma_wait3A_197] : memref<512x128xf32, #tpu.memory_space<vmem_shared>> -> memref<512x128xf32, #tpu.memory_space<vmem_shared>>
      tpu.wait_indirect_dma semaphore(%run_scoped3A_186 : memref<!tpu.dma_semaphore, #tpu.memory_space<semaphore_mem>>) src(%arg18 : memref<80x128xf32, #tpu.memory_space<vmem>>) dst(%dma_wait3A_198 : memref<512x128xf32, #tpu.memory_space<vmem_shared>>)
      tpu.yield
    }) : () -> ()
    %dma_wait3A_93 = arith.constant 1 : i32
    %dma_wait3A_94 = arith.constant 0 : i32
    %dma_wait3A_95 = tpu.memref_slice %arg15[%dma_wait3A_93, %dma_wait3A_94] : memref<4x80xi32, #tpu.memory_space<vmem>> -> memref<1x80xi32, #tpu.memory_space<vmem>>
    %dma_wait3A_96 = tpu.memref_squeeze %dma_wait3A_95 : memref<1x80xi32, #tpu.memory_space<vmem>> -> memref<80xi32, #tpu.memory_space<vmem>>
    %dma_wait3A_97 = arith.constant 0 : i32
    %dma_wait3A_98 = arith.constant 0 : i32
    %dma_wait3A_99 = tpu.memref_slice %arg2[%dma_wait3A_97, %dma_wait3A_98] : memref<100000x128xf32, #tpu.memory_space<hbm>> -> memref<100000x128xf32, #tpu.memory_space<hbm>>
    tpu.wait_indirect_dma semaphore(%arg26 : memref<!tpu.dma_semaphore, #tpu.memory_space<semaphore_mem>>) src(%dma_wait3A_99 : memref<100000x128xf32, #tpu.memory_space<hbm>>) dst(%arg19 : memref<80x128xf32, #tpu.memory_space<vmem>>)
    %mul3A_100 = arith.constant 320 : i32
    %mul3A_101 = arith.muli %add3A, %mul3A_100 : i32
    %add3A_102 = arith.constant 80 : i32
    %add3A_103 = arith.addi %mul3A_101, %add3A_102 : i32
    %dma_start3A_104 = arith.constant 0 : i32
    %dma_start3A_105 = tpu.memref_slice %arg10[%add3A_103, %dma_start3A_104] : memref<10240x128xf32, #tpu.memory_space<hbm>> -> memref<80x128xf32, #tpu.memory_space<hbm>>
    %dma_start3A_106 = arith.constant 0 : i32
    %dma_start3A_107 = tpu.memref_slice %arg10[%add3A_103, %dma_start3A_106] : memref<10240x128xf32, #tpu.memory_space<hbm>> -> memref<80x128xf32, #tpu.memory_space<hbm>>
    tpu.enqueue_dma source(%arg19 : memref<80x128xf32, #tpu.memory_space<vmem>>) target(%dma_start3A_107 : memref<80x128xf32, #tpu.memory_space<hbm>>) target_semaphore(%arg27 : memref<!tpu.dma_semaphore, #tpu.memory_space<semaphore_mem>>)
    %run_scoped3A_108 = arith.constant 1 : i32
    "tpu.region"() ({
      %run_scoped3A_186 = tpu.sem_alloc : memref<!tpu.dma_semaphore, #tpu.memory_space<semaphore_mem>>
      %dma_start3A_187 = arith.constant 0 : i32
      %dma_start3A_188 = tpu.memref_slice %arg16[%run_scoped3A_108, %dma_start3A_187] : memref<4x80xi32, #tpu.memory_space<vmem>> -> memref<1x80xi32, #tpu.memory_space<vmem>>
      %dma_start3A_189 = tpu.memref_squeeze %dma_start3A_188 : memref<1x80xi32, #tpu.memory_space<vmem>> -> memref<80xi32, #tpu.memory_space<vmem>>
      %dma_start3A_190 = arith.constant 0 : i32
      %dma_start3A_191 = arith.constant 0 : i32
      %dma_start3A_192 = tpu.memref_slice %arg25[%dma_start3A_190, %dma_start3A_191] : memref<512x128xf32, #tpu.memory_space<vmem_shared>> -> memref<512x128xf32, #tpu.memory_space<vmem_shared>>
      tpu.enqueue_indirect_dma source(%arg19 : memref<80x128xf32, #tpu.memory_space<vmem>>) target(%dma_start3A_192 : memref<512x128xf32, #tpu.memory_space<vmem_shared>>) offsets(%dma_start3A_189 : memref<80xi32, #tpu.memory_space<vmem>>) semaphore(%run_scoped3A_186 : memref<!tpu.dma_semaphore, #tpu.memory_space<semaphore_mem>>) {add = true}
      %dma_wait3A_193 = arith.constant 0 : i32
      %dma_wait3A_194 = tpu.memref_slice %arg16[%run_scoped3A_108, %dma_wait3A_193] : memref<4x80xi32, #tpu.memory_space<vmem>> -> memref<1x80xi32, #tpu.memory_space<vmem>>
      %dma_wait3A_195 = tpu.memref_squeeze %dma_wait3A_194 : memref<1x80xi32, #tpu.memory_space<vmem>> -> memref<80xi32, #tpu.memory_space<vmem>>
      %dma_wait3A_196 = arith.constant 0 : i32
      %dma_wait3A_197 = arith.constant 0 : i32
      %dma_wait3A_198 = tpu.memref_slice %arg25[%dma_wait3A_196, %dma_wait3A_197] : memref<512x128xf32, #tpu.memory_space<vmem_shared>> -> memref<512x128xf32, #tpu.memory_space<vmem_shared>>
      tpu.wait_indirect_dma semaphore(%run_scoped3A_186 : memref<!tpu.dma_semaphore, #tpu.memory_space<semaphore_mem>>) src(%arg19 : memref<80x128xf32, #tpu.memory_space<vmem>>) dst(%dma_wait3A_198 : memref<512x128xf32, #tpu.memory_space<vmem_shared>>)
      tpu.yield
    }) : () -> ()
    %dma_wait3A_109 = arith.constant 2 : i32
    %dma_wait3A_110 = arith.constant 0 : i32
    %dma_wait3A_111 = tpu.memref_slice %arg15[%dma_wait3A_109, %dma_wait3A_110] : memref<4x80xi32, #tpu.memory_space<vmem>> -> memref<1x80xi32, #tpu.memory_space<vmem>>
    %dma_wait3A_112 = tpu.memref_squeeze %dma_wait3A_111 : memref<1x80xi32, #tpu.memory_space<vmem>> -> memref<80xi32, #tpu.memory_space<vmem>>
    %dma_wait3A_113 = arith.constant 0 : i32
    %dma_wait3A_114 = arith.constant 0 : i32
    %dma_wait3A_115 = tpu.memref_slice %arg2[%dma_wait3A_113, %dma_wait3A_114] : memref<100000x128xf32, #tpu.memory_space<hbm>> -> memref<100000x128xf32, #tpu.memory_space<hbm>>
    tpu.wait_indirect_dma semaphore(%arg26 : memref<!tpu.dma_semaphore, #tpu.memory_space<semaphore_mem>>) src(%dma_wait3A_115 : memref<100000x128xf32, #tpu.memory_space<hbm>>) dst(%arg20 : memref<80x128xf32, #tpu.memory_space<vmem>>)
    %mul3A_116 = arith.constant 320 : i32
    %mul3A_117 = arith.muli %add3A, %mul3A_116 : i32
    %add3A_118 = arith.constant 160 : i32
    %add3A_119 = arith.addi %mul3A_117, %add3A_118 : i32
    %dma_start3A_120 = arith.constant 0 : i32
    %dma_start3A_121 = tpu.memref_slice %arg10[%add3A_119, %dma_start3A_120] : memref<10240x128xf32, #tpu.memory_space<hbm>> -> memref<80x128xf32, #tpu.memory_space<hbm>>
    %dma_start3A_122 = arith.constant 0 : i32
    %dma_start3A_123 = tpu.memref_slice %arg10[%add3A_119, %dma_start3A_122] : memref<10240x128xf32, #tpu.memory_space<hbm>> -> memref<80x128xf32, #tpu.memory_space<hbm>>
    tpu.enqueue_dma source(%arg20 : memref<80x128xf32, #tpu.memory_space<vmem>>) target(%dma_start3A_123 : memref<80x128xf32, #tpu.memory_space<hbm>>) target_semaphore(%arg27 : memref<!tpu.dma_semaphore, #tpu.memory_space<semaphore_mem>>)
    %run_scoped3A_124 = arith.constant 2 : i32
    "tpu.region"() ({
      %run_scoped3A_186 = tpu.sem_alloc : memref<!tpu.dma_semaphore, #tpu.memory_space<semaphore_mem>>
      %dma_start3A_187 = arith.constant 0 : i32
      %dma_start3A_188 = tpu.memref_slice %arg16[%run_scoped3A_124, %dma_start3A_187] : memref<4x80xi32, #tpu.memory_space<vmem>> -> memref<1x80xi32, #tpu.memory_space<vmem>>
      %dma_start3A_189 = tpu.memref_squeeze %dma_start3A_188 : memref<1x80xi32, #tpu.memory_space<vmem>> -> memref<80xi32, #tpu.memory_space<vmem>>
      %dma_start3A_190 = arith.constant 0 : i32
      %dma_start3A_191 = arith.constant 0 : i32
      %dma_start3A_192 = tpu.memref_slice %arg25[%dma_start3A_190, %dma_start3A_191] : memref<512x128xf32, #tpu.memory_space<vmem_shared>> -> memref<512x128xf32, #tpu.memory_space<vmem_shared>>
      tpu.enqueue_indirect_dma source(%arg20 : memref<80x128xf32, #tpu.memory_space<vmem>>) target(%dma_start3A_192 : memref<512x128xf32, #tpu.memory_space<vmem_shared>>) offsets(%dma_start3A_189 : memref<80xi32, #tpu.memory_space<vmem>>) semaphore(%run_scoped3A_186 : memref<!tpu.dma_semaphore, #tpu.memory_space<semaphore_mem>>) {add = true}
      %dma_wait3A_193 = arith.constant 0 : i32
      %dma_wait3A_194 = tpu.memref_slice %arg16[%run_scoped3A_124, %dma_wait3A_193] : memref<4x80xi32, #tpu.memory_space<vmem>> -> memref<1x80xi32, #tpu.memory_space<vmem>>
      %dma_wait3A_195 = tpu.memref_squeeze %dma_wait3A_194 : memref<1x80xi32, #tpu.memory_space<vmem>> -> memref<80xi32, #tpu.memory_space<vmem>>
      %dma_wait3A_196 = arith.constant 0 : i32
      %dma_wait3A_197 = arith.constant 0 : i32
      %dma_wait3A_198 = tpu.memref_slice %arg25[%dma_wait3A_196, %dma_wait3A_197] : memref<512x128xf32, #tpu.memory_space<vmem_shared>> -> memref<512x128xf32, #tpu.memory_space<vmem_shared>>
      tpu.wait_indirect_dma semaphore(%run_scoped3A_186 : memref<!tpu.dma_semaphore, #tpu.memory_space<semaphore_mem>>) src(%arg20 : memref<80x128xf32, #tpu.memory_space<vmem>>) dst(%dma_wait3A_198 : memref<512x128xf32, #tpu.memory_space<vmem_shared>>)
      tpu.yield
    }) : () -> ()
    %dma_wait3A_125 = arith.constant 3 : i32
    %dma_wait3A_126 = arith.constant 0 : i32
    %dma_wait3A_127 = tpu.memref_slice %arg15[%dma_wait3A_125, %dma_wait3A_126] : memref<4x80xi32, #tpu.memory_space<vmem>> -> memref<1x80xi32, #tpu.memory_space<vmem>>
    %dma_wait3A_128 = tpu.memref_squeeze %dma_wait3A_127 : memref<1x80xi32, #tpu.memory_space<vmem>> -> memref<80xi32, #tpu.memory_space<vmem>>
    %dma_wait3A_129 = arith.constant 0 : i32
    %dma_wait3A_130 = arith.constant 0 : i32
    %dma_wait3A_131 = tpu.memref_slice %arg2[%dma_wait3A_129, %dma_wait3A_130] : memref<100000x128xf32, #tpu.memory_space<hbm>> -> memref<100000x128xf32, #tpu.memory_space<hbm>>
    tpu.wait_indirect_dma semaphore(%arg26 : memref<!tpu.dma_semaphore, #tpu.memory_space<semaphore_mem>>) src(%dma_wait3A_131 : memref<100000x128xf32, #tpu.memory_space<hbm>>) dst(%arg21 : memref<80x128xf32, #tpu.memory_space<vmem>>)
    %mul3A_132 = arith.constant 320 : i32
    %mul3A_133 = arith.muli %add3A, %mul3A_132 : i32
    %add3A_134 = arith.constant 240 : i32
    %add3A_135 = arith.addi %mul3A_133, %add3A_134 : i32
    %dma_start3A_136 = arith.constant 0 : i32
    %dma_start3A_137 = tpu.memref_slice %arg10[%add3A_135, %dma_start3A_136] : memref<10240x128xf32, #tpu.memory_space<hbm>> -> memref<80x128xf32, #tpu.memory_space<hbm>>
    %dma_start3A_138 = arith.constant 0 : i32
    %dma_start3A_139 = tpu.memref_slice %arg10[%add3A_135, %dma_start3A_138] : memref<10240x128xf32, #tpu.memory_space<hbm>> -> memref<80x128xf32, #tpu.memory_space<hbm>>
    tpu.enqueue_dma source(%arg21 : memref<80x128xf32, #tpu.memory_space<vmem>>) target(%dma_start3A_139 : memref<80x128xf32, #tpu.memory_space<hbm>>) target_semaphore(%arg27 : memref<!tpu.dma_semaphore, #tpu.memory_space<semaphore_mem>>)
    %run_scoped3A_140 = arith.constant 3 : i32
    "tpu.region"() ({
      %run_scoped3A_186 = tpu.sem_alloc : memref<!tpu.dma_semaphore, #tpu.memory_space<semaphore_mem>>
      %dma_start3A_187 = arith.constant 0 : i32
      %dma_start3A_188 = tpu.memref_slice %arg16[%run_scoped3A_140, %dma_start3A_187] : memref<4x80xi32, #tpu.memory_space<vmem>> -> memref<1x80xi32, #tpu.memory_space<vmem>>
      %dma_start3A_189 = tpu.memref_squeeze %dma_start3A_188 : memref<1x80xi32, #tpu.memory_space<vmem>> -> memref<80xi32, #tpu.memory_space<vmem>>
      %dma_start3A_190 = arith.constant 0 : i32
      %dma_start3A_191 = arith.constant 0 : i32
      %dma_start3A_192 = tpu.memref_slice %arg25[%dma_start3A_190, %dma_start3A_191] : memref<512x128xf32, #tpu.memory_space<vmem_shared>> -> memref<512x128xf32, #tpu.memory_space<vmem_shared>>
      tpu.enqueue_indirect_dma source(%arg21 : memref<80x128xf32, #tpu.memory_space<vmem>>) target(%dma_start3A_192 : memref<512x128xf32, #tpu.memory_space<vmem_shared>>) offsets(%dma_start3A_189 : memref<80xi32, #tpu.memory_space<vmem>>) semaphore(%run_scoped3A_186 : memref<!tpu.dma_semaphore, #tpu.memory_space<semaphore_mem>>) {add = true}
      %dma_wait3A_193 = arith.constant 0 : i32
      %dma_wait3A_194 = tpu.memref_slice %arg16[%run_scoped3A_140, %dma_wait3A_193] : memref<4x80xi32, #tpu.memory_space<vmem>> -> memref<1x80xi32, #tpu.memory_space<vmem>>
      %dma_wait3A_195 = tpu.memref_squeeze %dma_wait3A_194 : memref<1x80xi32, #tpu.memory_space<vmem>> -> memref<80xi32, #tpu.memory_space<vmem>>
      %dma_wait3A_196 = arith.constant 0 : i32
      %dma_wait3A_197 = arith.constant 0 : i32
      %dma_wait3A_198 = tpu.memref_slice %arg25[%dma_wait3A_196, %dma_wait3A_197] : memref<512x128xf32, #tpu.memory_space<vmem_shared>> -> memref<512x128xf32, #tpu.memory_space<vmem_shared>>
      tpu.wait_indirect_dma semaphore(%run_scoped3A_186 : memref<!tpu.dma_semaphore, #tpu.memory_space<semaphore_mem>>) src(%arg21 : memref<80x128xf32, #tpu.memory_space<vmem>>) dst(%dma_wait3A_198 : memref<512x128xf32, #tpu.memory_space<vmem_shared>>)
      tpu.yield
    }) : () -> ()
    %mul3A_141 = arith.constant 320 : i32
    %mul3A_142 = arith.muli %add3A, %mul3A_141 : i32
    %add3A_143 = arith.constant 0 : i32
    %add3A_144 = arith.addi %mul3A_142, %add3A_143 : i32
    %dma_wait3A_145 = arith.constant 0 : i32
    %dma_wait3A_146 = tpu.memref_slice %arg10[%add3A_144, %dma_wait3A_145] : memref<10240x128xf32, #tpu.memory_space<hbm>> -> memref<80x128xf32, #tpu.memory_space<hbm>>
    %dma_wait3A_147 = arith.constant 0 : i32
    %dma_wait3A_148 = tpu.memref_slice %arg10[%add3A_144, %dma_wait3A_147] : memref<10240x128xf32, #tpu.memory_space<hbm>> -> memref<80x128xf32, #tpu.memory_space<hbm>>
    tpu.wait_dma2 semaphore(%arg27 : memref<!tpu.dma_semaphore, #tpu.memory_space<semaphore_mem>>) src(%arg18 : memref<80x128xf32, #tpu.memory_space<vmem>>) dst(%dma_wait3A_148 : memref<80x128xf32, #tpu.memory_space<hbm>>)
    %mul3A_149 = arith.constant 320 : i32
    %mul3A_150 = arith.muli %add3A, %mul3A_149 : i32
    %add3A_151 = arith.constant 80 : i32
    %add3A_152 = arith.addi %mul3A_150, %add3A_151 : i32
    %dma_wait3A_153 = arith.constant 0 : i32
    %dma_wait3A_154 = tpu.memref_slice %arg10[%add3A_152, %dma_wait3A_153] : memref<10240x128xf32, #tpu.memory_space<hbm>> -> memref<80x128xf32, #tpu.memory_space<hbm>>
    %dma_wait3A_155 = arith.constant 0 : i32
    %dma_wait3A_156 = tpu.memref_slice %arg10[%add3A_152, %dma_wait3A_155] : memref<10240x128xf32, #tpu.memory_space<hbm>> -> memref<80x128xf32, #tpu.memory_space<hbm>>
    tpu.wait_dma2 semaphore(%arg27 : memref<!tpu.dma_semaphore, #tpu.memory_space<semaphore_mem>>) src(%arg19 : memref<80x128xf32, #tpu.memory_space<vmem>>) dst(%dma_wait3A_156 : memref<80x128xf32, #tpu.memory_space<hbm>>)
    %mul3A_157 = arith.constant 320 : i32
    %mul3A_158 = arith.muli %add3A, %mul3A_157 : i32
    %add3A_159 = arith.constant 160 : i32
    %add3A_160 = arith.addi %mul3A_158, %add3A_159 : i32
    %dma_wait3A_161 = arith.constant 0 : i32
    %dma_wait3A_162 = tpu.memref_slice %arg10[%add3A_160, %dma_wait3A_161] : memref<10240x128xf32, #tpu.memory_space<hbm>> -> memref<80x128xf32, #tpu.memory_space<hbm>>
    %dma_wait3A_163 = arith.constant 0 : i32
    %dma_wait3A_164 = tpu.memref_slice %arg10[%add3A_160, %dma_wait3A_163] : memref<10240x128xf32, #tpu.memory_space<hbm>> -> memref<80x128xf32, #tpu.memory_space<hbm>>
    tpu.wait_dma2 semaphore(%arg27 : memref<!tpu.dma_semaphore, #tpu.memory_space<semaphore_mem>>) src(%arg20 : memref<80x128xf32, #tpu.memory_space<vmem>>) dst(%dma_wait3A_164 : memref<80x128xf32, #tpu.memory_space<hbm>>)
    %mul3A_165 = arith.constant 320 : i32
    %mul3A_166 = arith.muli %add3A, %mul3A_165 : i32
    %add3A_167 = arith.constant 240 : i32
    %add3A_168 = arith.addi %mul3A_166, %add3A_167 : i32
    %dma_wait3A_169 = arith.constant 0 : i32
    %dma_wait3A_170 = tpu.memref_slice %arg10[%add3A_168, %dma_wait3A_169] : memref<10240x128xf32, #tpu.memory_space<hbm>> -> memref<80x128xf32, #tpu.memory_space<hbm>>
    %dma_wait3A_171 = arith.constant 0 : i32
    %dma_wait3A_172 = tpu.memref_slice %arg10[%add3A_168, %dma_wait3A_171] : memref<10240x128xf32, #tpu.memory_space<hbm>> -> memref<80x128xf32, #tpu.memory_space<hbm>>
    tpu.wait_dma2 semaphore(%arg27 : memref<!tpu.dma_semaphore, #tpu.memory_space<semaphore_mem>>) src(%arg21 : memref<80x128xf32, #tpu.memory_space<vmem>>) dst(%dma_wait3A_172 : memref<80x128xf32, #tpu.memory_space<hbm>>)
    %dma_wait3A_173 = arith.constant 0 : i32
    %dma_wait3A_174 = arith.constant 0 : i32
    %dma_wait3A_175 = tpu.memref_slice %arg2[%dma_wait3A_173, %dma_wait3A_174] : memref<100000x128xf32, #tpu.memory_space<hbm>> -> memref<100000x128xf32, #tpu.memory_space<hbm>>
    tpu.wait_indirect_dma semaphore(%arg28 : memref<!tpu.dma_semaphore, #tpu.memory_space<semaphore_mem>>) src(%dma_wait3A_175 : memref<100000x128xf32, #tpu.memory_space<hbm>>) dst(%arg23 : memref<32x128xf32, #tpu.memory_space<vmem>>)
    %mul3A_176 = arith.constant 32 : i32
    %mul3A_177 = arith.muli %add3A, %mul3A_176 : i32
    "tpu.region"() ({
      %run_scoped3A_186 = tpu.sem_alloc : memref<!tpu.dma_semaphore, #tpu.memory_space<semaphore_mem>>
      %dma_start3A_187 = arith.constant 0 : i32
      %dma_start3A_188 = tpu.memref_slice %arg12[%mul3A_177, %dma_start3A_187] : memref<1024x128xf32, #tpu.memory_space<hbm>> -> memref<32x128xf32, #tpu.memory_space<hbm>>
      %dma_start3A_189 = arith.constant 0 : i32
      %dma_start3A_190 = tpu.memref_slice %arg12[%mul3A_177, %dma_start3A_189] : memref<1024x128xf32, #tpu.memory_space<hbm>> -> memref<32x128xf32, #tpu.memory_space<hbm>>
      tpu.enqueue_dma source(%arg23 : memref<32x128xf32, #tpu.memory_space<vmem>>) target(%dma_start3A_190 : memref<32x128xf32, #tpu.memory_space<hbm>>) target_semaphore(%run_scoped3A_186 : memref<!tpu.dma_semaphore, #tpu.memory_space<semaphore_mem>>)
      %dma_wait3A_191 = arith.constant 0 : i32
      %dma_wait3A_192 = tpu.memref_slice %arg12[%mul3A_177, %dma_wait3A_191] : memref<1024x128xf32, #tpu.memory_space<hbm>> -> memref<32x128xf32, #tpu.memory_space<hbm>>
      %dma_wait3A_193 = arith.constant 0 : i32
      %dma_wait3A_194 = tpu.memref_slice %arg12[%mul3A_177, %dma_wait3A_193] : memref<1024x128xf32, #tpu.memory_space<hbm>> -> memref<32x128xf32, #tpu.memory_space<hbm>>
      tpu.wait_dma2 semaphore(%run_scoped3A_186 : memref<!tpu.dma_semaphore, #tpu.memory_space<semaphore_mem>>) src(%arg23 : memref<32x128xf32, #tpu.memory_space<vmem>>) dst(%dma_wait3A_194 : memref<32x128xf32, #tpu.memory_space<hbm>>)
      tpu.yield
    }) : () -> ()
    %mul3A_178 = arith.constant 320 : i32
    %mul3A_179 = arith.muli %arg1, %mul3A_178 : i32
    %mul3A_180 = arith.constant 320 : i32
    %mul3A_181 = arith.muli %add3A, %mul3A_180 : i32
    "tpu.region"() ({
      %run_scoped3A_186 = tpu.sem_alloc : memref<!tpu.dma_semaphore, #tpu.memory_space<semaphore_mem>>
      %dma_start3A_187 = arith.constant 0 : i32
      %dma_start3A_188 = tpu.memref_slice %arg9[%mul3A_181, %dma_start3A_187] : memref<10240x128xf32, #tpu.memory_space<hbm>> -> memref<320x128xf32, #tpu.memory_space<hbm>>
      %dma_start3A_189 = arith.constant 0 : i32
      %dma_start3A_190 = tpu.memref_slice %arg24[%mul3A_179, %dma_start3A_189] : memref<5120x128xf32, #tpu.memory_space<vmem_shared>> -> memref<320x128xf32, #tpu.memory_space<vmem_shared>>
      tpu.enqueue_dma source(%dma_start3A_190 : memref<320x128xf32, #tpu.memory_space<vmem_shared>>) target(%dma_start3A_188 : memref<320x128xf32, #tpu.memory_space<hbm>>) target_semaphore(%run_scoped3A_186 : memref<!tpu.dma_semaphore, #tpu.memory_space<semaphore_mem>>)
      %dma_wait3A_191 = arith.constant 0 : i32
      %dma_wait3A_192 = tpu.memref_slice %arg9[%mul3A_181, %dma_wait3A_191] : memref<10240x128xf32, #tpu.memory_space<hbm>> -> memref<320x128xf32, #tpu.memory_space<hbm>>
      %dma_wait3A_193 = arith.constant 0 : i32
      %dma_wait3A_194 = tpu.memref_slice %arg24[%mul3A_179, %dma_wait3A_193] : memref<5120x128xf32, #tpu.memory_space<vmem_shared>> -> memref<320x128xf32, #tpu.memory_space<vmem_shared>>
      tpu.wait_dma2 semaphore(%run_scoped3A_186 : memref<!tpu.dma_semaphore, #tpu.memory_space<semaphore_mem>>) src(%dma_wait3A_194 : memref<320x128xf32, #tpu.memory_space<vmem_shared>>) dst(%dma_wait3A_192 : memref<320x128xf32, #tpu.memory_space<hbm>>)
      tpu.yield
    }) : () -> ()
    %mul3A_182 = arith.constant 32 : i32
    %mul3A_183 = arith.muli %arg1, %mul3A_182 : i32
    %mul3A_184 = arith.constant 32 : i32
    %mul3A_185 = arith.muli %add3A, %mul3A_184 : i32
    "tpu.region"() ({
      %run_scoped3A_186 = tpu.sem_alloc : memref<!tpu.dma_semaphore, #tpu.memory_space<semaphore_mem>>
      %dma_start3A_187 = arith.constant 0 : i32
      %dma_start3A_188 = tpu.memref_slice %arg11[%mul3A_185, %dma_start3A_187] : memref<1024x128xf32, #tpu.memory_space<hbm>> -> memref<32x128xf32, #tpu.memory_space<hbm>>
      %dma_start3A_189 = arith.constant 0 : i32
      %dma_start3A_190 = tpu.memref_slice %arg25[%mul3A_183, %dma_start3A_189] : memref<512x128xf32, #tpu.memory_space<vmem_shared>> -> memref<32x128xf32, #tpu.memory_space<vmem_shared>>
      tpu.enqueue_dma source(%dma_start3A_190 : memref<32x128xf32, #tpu.memory_space<vmem_shared>>) target(%dma_start3A_188 : memref<32x128xf32, #tpu.memory_space<hbm>>) target_semaphore(%run_scoped3A_186 : memref<!tpu.dma_semaphore, #tpu.memory_space<semaphore_mem>>)
      %dma_wait3A_191 = arith.constant 0 : i32
      %dma_wait3A_192 = tpu.memref_slice %arg11[%mul3A_185, %dma_wait3A_191] : memref<1024x128xf32, #tpu.memory_space<hbm>> -> memref<32x128xf32, #tpu.memory_space<hbm>>
      %dma_wait3A_193 = arith.constant 0 : i32
      %dma_wait3A_194 = tpu.memref_slice %arg25[%mul3A_183, %dma_wait3A_193] : memref<512x128xf32, #tpu.memory_space<vmem_shared>> -> memref<32x128xf32, #tpu.memory_space<vmem_shared>>
      tpu.wait_dma2 semaphore(%run_scoped3A_186 : memref<!tpu.dma_semaphore, #tpu.memory_space<semaphore_mem>>) src(%dma_wait3A_194 : memref<32x128xf32, #tpu.memory_space<vmem_shared>>) dst(%dma_wait3A_192 : memref<32x128xf32, #tpu.memory_space<hbm>>)
      tpu.yield
    }) : () -> ()
    return
  }
}

module attributes {stable_mosaic.version = 14 : i64} {
  func.func @_tc_body(%arg0: memref<1024x128xf32, #tpu.memory_space<vmem>>, %arg1: memref<1024x10x128xf32, #tpu.memory_space<vmem>>, %arg2: memref<1024x128xf32, #tpu.memory_space<vmem>>, %arg3: memref<1024x10x128xf32, #tpu.memory_space<vmem>>, %arg4: memref<128x128xf32, #tpu.memory_space<vmem>>, %arg5: memref<128x128xf32, #tpu.memory_space<vmem>>, %arg6: memref<1x128xf32, #tpu.memory_space<vmem>>, %arg7: memref<128x128xf32, #tpu.memory_space<vmem>>, %arg8: memref<128x128xf32, #tpu.memory_space<vmem>>, %arg9: memref<1x128xf32, #tpu.memory_space<vmem>>, %arg10: memref<1024x128xf32, #tpu.memory_space<vmem>>) attributes {dimension_semantics = [], scalar_prefetch = 0 : i64, scratch_operands = 0 : i64, tpu.core_type = #tpu.core_type<tc>} {
    %get3A = arith.constant 0 : index
    %get3A_0 = arith.constant 0 : index
    %get3A_1 = vector.load %arg4[%get3A, %get3A_0] : memref<128x128xf32, #tpu.memory_space<vmem>>, vector<128x128xf32>
    %get3A_2 = arith.constant 0 : index
    %get3A_3 = arith.constant 0 : index
    %get3A_4 = vector.load %arg6[%get3A_2, %get3A_3] : memref<1x128xf32, #tpu.memory_space<vmem>>, vector<1x128xf32>
    %get3A_5 = arith.constant 0 : index
    %get3A_6 = arith.constant 0 : index
    %get3A_7 = vector.load %arg5[%get3A_5, %get3A_6] : memref<128x128xf32, #tpu.memory_space<vmem>>, vector<128x128xf32>
    %get3A_8 = arith.constant 0 : index
    %get3A_9 = arith.constant 0 : index
    %get3A_10 = vector.load %arg0[%get3A_8, %get3A_9] : memref<1024x128xf32, #tpu.memory_space<vmem>>, vector<1024x128xf32>
    %dot_general3A = arith.constant dense<0.000000e+00> : vector<1024x128xf32>
    %dot_general3A_11 = tpu.matmul %get3A_10, %get3A_1, %dot_general3A {dimension_numbers = #tpu.dot_dimension_numbers<[1], [0], [0], [1], [0, 0, 1, 1], [], []>, transpose_lhs_hint = false} : vector<1024x128xf32>, vector<128x128xf32>, vector<1024x128xf32> -> vector<1024x128xf32>
    %get3A_12 = arith.constant 0 : index
    %get3A_13 = arith.constant 0 : index
    %get3A_14 = vector.load %arg2[%get3A_12, %get3A_13] : memref<1024x128xf32, #tpu.memory_space<vmem>>, vector<1024x128xf32>
    %mul3A = arith.constant 1.000000e-01 : f32
    %mul3A_15 = vector.broadcast %mul3A : f32 to vector<1024x128xf32>
    %mul3A_16 = arith.mulf %get3A_14, %mul3A_15 : vector<1024x128xf32>
    %dot_general3A_17 = arith.constant dense<0.000000e+00> : vector<1024x128xf32>
    %dot_general3A_18 = tpu.matmul %mul3A_16, %get3A_7, %dot_general3A_17 {dimension_numbers = #tpu.dot_dimension_numbers<[1], [0], [0], [1], [0, 0, 1, 1], [], []>, transpose_lhs_hint = false} : vector<1024x128xf32>, vector<128x128xf32>, vector<1024x128xf32> -> vector<1024x128xf32>
    %add3A = arith.addf %dot_general3A_11, %dot_general3A_18 : vector<1024x128xf32>
    %add3A_19 = vector.broadcast %get3A_4 : vector<1x128xf32> to vector<1024x128xf32>
    %add3A_20 = arith.addf %add3A, %add3A_19 : vector<1024x128xf32>
    %max3A = arith.constant 0.000000e+00 : f32
    %max3A_21 = vector.broadcast %max3A : f32 to vector<1024x128xf32>
    %max3A_22 = arith.maximumf %add3A_20, %max3A_21 : vector<1024x128xf32>
    %broadcast_in_dim3A = arith.constant 0.000000e+00 : f32
    %broadcast_in_dim3A_23 = vector.broadcast %broadcast_in_dim3A : f32 to vector<1024x128xf32>
    %get3A_24 = arith.constant 0 : index
    %get3A_25 = arith.constant 0 : index
    %get3A_26 = arith.constant 0 : index
    %get3A_27 = vector.load %arg1[%get3A_24, %get3A_25, %get3A_26] : memref<1024x10x128xf32, #tpu.memory_space<vmem>>, vector<1024x1x128xf32>
    %get3A_28 = vector.shape_cast %get3A_27 : vector<1024x1x128xf32> to vector<1024x128xf32>
    %dot_general3A_29 = arith.constant dense<0.000000e+00> : vector<1024x128xf32>
    %dot_general3A_30 = tpu.matmul %get3A_28, %get3A_1, %dot_general3A_29 {dimension_numbers = #tpu.dot_dimension_numbers<[1], [0], [0], [1], [0, 0, 1, 1], [], []>, transpose_lhs_hint = false} : vector<1024x128xf32>, vector<128x128xf32>, vector<1024x128xf32> -> vector<1024x128xf32>
    %get3A_31 = arith.constant 0 : index
    %get3A_32 = arith.constant 0 : index
    %get3A_33 = arith.constant 0 : index
    %get3A_34 = vector.load %arg3[%get3A_31, %get3A_32, %get3A_33] : memref<1024x10x128xf32, #tpu.memory_space<vmem>>, vector<1024x1x128xf32>
    %get3A_35 = vector.shape_cast %get3A_34 : vector<1024x1x128xf32> to vector<1024x128xf32>
    %mul3A_36 = arith.constant 4.000000e-02 : f32
    %mul3A_37 = vector.broadcast %mul3A_36 : f32 to vector<1024x128xf32>
    %mul3A_38 = arith.mulf %get3A_35, %mul3A_37 : vector<1024x128xf32>
    %dot_general3A_39 = arith.constant dense<0.000000e+00> : vector<1024x128xf32>
    %dot_general3A_40 = tpu.matmul %mul3A_38, %get3A_7, %dot_general3A_39 {dimension_numbers = #tpu.dot_dimension_numbers<[1], [0], [0], [1], [0, 0, 1, 1], [], []>, transpose_lhs_hint = false} : vector<1024x128xf32>, vector<128x128xf32>, vector<1024x128xf32> -> vector<1024x128xf32>
    %add3A_41 = arith.addf %dot_general3A_30, %dot_general3A_40 : vector<1024x128xf32>
    %add3A_42 = vector.broadcast %get3A_4 : vector<1x128xf32> to vector<1024x128xf32>
    %add3A_43 = arith.addf %add3A_41, %add3A_42 : vector<1024x128xf32>
    %max3A_44 = arith.constant 0.000000e+00 : f32
    %max3A_45 = vector.broadcast %max3A_44 : f32 to vector<1024x128xf32>
    %max3A_46 = arith.maximumf %add3A_43, %max3A_45 : vector<1024x128xf32>
    %add3A_47 = arith.addf %broadcast_in_dim3A_23, %max3A_46 : vector<1024x128xf32>
    %get3A_48 = arith.constant 0 : index
    %get3A_49 = arith.constant 1 : index
    %get3A_50 = arith.constant 0 : index
    %get3A_51 = vector.load %arg1[%get3A_48, %get3A_49, %get3A_50] : memref<1024x10x128xf32, #tpu.memory_space<vmem>>, vector<1024x1x128xf32>
    %get3A_52 = vector.shape_cast %get3A_51 : vector<1024x1x128xf32> to vector<1024x128xf32>
    %dot_general3A_53 = arith.constant dense<0.000000e+00> : vector<1024x128xf32>
    %dot_general3A_54 = tpu.matmul %get3A_52, %get3A_1, %dot_general3A_53 {dimension_numbers = #tpu.dot_dimension_numbers<[1], [0], [0], [1], [0, 0, 1, 1], [], []>, transpose_lhs_hint = false} : vector<1024x128xf32>, vector<128x128xf32>, vector<1024x128xf32> -> vector<1024x128xf32>
    %get3A_55 = arith.constant 0 : index
    %get3A_56 = arith.constant 1 : index
    %get3A_57 = arith.constant 0 : index
    %get3A_58 = vector.load %arg3[%get3A_55, %get3A_56, %get3A_57] : memref<1024x10x128xf32, #tpu.memory_space<vmem>>, vector<1024x1x128xf32>
    %get3A_59 = vector.shape_cast %get3A_58 : vector<1024x1x128xf32> to vector<1024x128xf32>
    %mul3A_60 = arith.constant 4.000000e-02 : f32
    %mul3A_61 = vector.broadcast %mul3A_60 : f32 to vector<1024x128xf32>
    %mul3A_62 = arith.mulf %get3A_59, %mul3A_61 : vector<1024x128xf32>
    %dot_general3A_63 = arith.constant dense<0.000000e+00> : vector<1024x128xf32>
    %dot_general3A_64 = tpu.matmul %mul3A_62, %get3A_7, %dot_general3A_63 {dimension_numbers = #tpu.dot_dimension_numbers<[1], [0], [0], [1], [0, 0, 1, 1], [], []>, transpose_lhs_hint = false} : vector<1024x128xf32>, vector<128x128xf32>, vector<1024x128xf32> -> vector<1024x128xf32>
    %add3A_65 = arith.addf %dot_general3A_54, %dot_general3A_64 : vector<1024x128xf32>
    %add3A_66 = vector.broadcast %get3A_4 : vector<1x128xf32> to vector<1024x128xf32>
    %add3A_67 = arith.addf %add3A_65, %add3A_66 : vector<1024x128xf32>
    %max3A_68 = arith.constant 0.000000e+00 : f32
    %max3A_69 = vector.broadcast %max3A_68 : f32 to vector<1024x128xf32>
    %max3A_70 = arith.maximumf %add3A_67, %max3A_69 : vector<1024x128xf32>
    %add3A_71 = arith.addf %add3A_47, %max3A_70 : vector<1024x128xf32>
    %get3A_72 = arith.constant 0 : index
    %get3A_73 = arith.constant 2 : index
    %get3A_74 = arith.constant 0 : index
    %get3A_75 = vector.load %arg1[%get3A_72, %get3A_73, %get3A_74] : memref<1024x10x128xf32, #tpu.memory_space<vmem>>, vector<1024x1x128xf32>
    %get3A_76 = vector.shape_cast %get3A_75 : vector<1024x1x128xf32> to vector<1024x128xf32>
    %dot_general3A_77 = arith.constant dense<0.000000e+00> : vector<1024x128xf32>
    %dot_general3A_78 = tpu.matmul %get3A_76, %get3A_1, %dot_general3A_77 {dimension_numbers = #tpu.dot_dimension_numbers<[1], [0], [0], [1], [0, 0, 1, 1], [], []>, transpose_lhs_hint = false} : vector<1024x128xf32>, vector<128x128xf32>, vector<1024x128xf32> -> vector<1024x128xf32>
    %get3A_79 = arith.constant 0 : index
    %get3A_80 = arith.constant 2 : index
    %get3A_81 = arith.constant 0 : index
    %get3A_82 = vector.load %arg3[%get3A_79, %get3A_80, %get3A_81] : memref<1024x10x128xf32, #tpu.memory_space<vmem>>, vector<1024x1x128xf32>
    %get3A_83 = vector.shape_cast %get3A_82 : vector<1024x1x128xf32> to vector<1024x128xf32>
    %mul3A_84 = arith.constant 4.000000e-02 : f32
    %mul3A_85 = vector.broadcast %mul3A_84 : f32 to vector<1024x128xf32>
    %mul3A_86 = arith.mulf %get3A_83, %mul3A_85 : vector<1024x128xf32>
    %dot_general3A_87 = arith.constant dense<0.000000e+00> : vector<1024x128xf32>
    %dot_general3A_88 = tpu.matmul %mul3A_86, %get3A_7, %dot_general3A_87 {dimension_numbers = #tpu.dot_dimension_numbers<[1], [0], [0], [1], [0, 0, 1, 1], [], []>, transpose_lhs_hint = false} : vector<1024x128xf32>, vector<128x128xf32>, vector<1024x128xf32> -> vector<1024x128xf32>
    %add3A_89 = arith.addf %dot_general3A_78, %dot_general3A_88 : vector<1024x128xf32>
    %add3A_90 = vector.broadcast %get3A_4 : vector<1x128xf32> to vector<1024x128xf32>
    %add3A_91 = arith.addf %add3A_89, %add3A_90 : vector<1024x128xf32>
    %max3A_92 = arith.constant 0.000000e+00 : f32
    %max3A_93 = vector.broadcast %max3A_92 : f32 to vector<1024x128xf32>
    %max3A_94 = arith.maximumf %add3A_91, %max3A_93 : vector<1024x128xf32>
    %add3A_95 = arith.addf %add3A_71, %max3A_94 : vector<1024x128xf32>
    %get3A_96 = arith.constant 0 : index
    %get3A_97 = arith.constant 3 : index
    %get3A_98 = arith.constant 0 : index
    %get3A_99 = vector.load %arg1[%get3A_96, %get3A_97, %get3A_98] : memref<1024x10x128xf32, #tpu.memory_space<vmem>>, vector<1024x1x128xf32>
    %get3A_100 = vector.shape_cast %get3A_99 : vector<1024x1x128xf32> to vector<1024x128xf32>
    %dot_general3A_101 = arith.constant dense<0.000000e+00> : vector<1024x128xf32>
    %dot_general3A_102 = tpu.matmul %get3A_100, %get3A_1, %dot_general3A_101 {dimension_numbers = #tpu.dot_dimension_numbers<[1], [0], [0], [1], [0, 0, 1, 1], [], []>, transpose_lhs_hint = false} : vector<1024x128xf32>, vector<128x128xf32>, vector<1024x128xf32> -> vector<1024x128xf32>
    %get3A_103 = arith.constant 0 : index
    %get3A_104 = arith.constant 3 : index
    %get3A_105 = arith.constant 0 : index
    %get3A_106 = vector.load %arg3[%get3A_103, %get3A_104, %get3A_105] : memref<1024x10x128xf32, #tpu.memory_space<vmem>>, vector<1024x1x128xf32>
    %get3A_107 = vector.shape_cast %get3A_106 : vector<1024x1x128xf32> to vector<1024x128xf32>
    %mul3A_108 = arith.constant 4.000000e-02 : f32
    %mul3A_109 = vector.broadcast %mul3A_108 : f32 to vector<1024x128xf32>
    %mul3A_110 = arith.mulf %get3A_107, %mul3A_109 : vector<1024x128xf32>
    %dot_general3A_111 = arith.constant dense<0.000000e+00> : vector<1024x128xf32>
    %dot_general3A_112 = tpu.matmul %mul3A_110, %get3A_7, %dot_general3A_111 {dimension_numbers = #tpu.dot_dimension_numbers<[1], [0], [0], [1], [0, 0, 1, 1], [], []>, transpose_lhs_hint = false} : vector<1024x128xf32>, vector<128x128xf32>, vector<1024x128xf32> -> vector<1024x128xf32>
    %add3A_113 = arith.addf %dot_general3A_102, %dot_general3A_112 : vector<1024x128xf32>
    %add3A_114 = vector.broadcast %get3A_4 : vector<1x128xf32> to vector<1024x128xf32>
    %add3A_115 = arith.addf %add3A_113, %add3A_114 : vector<1024x128xf32>
    %max3A_116 = arith.constant 0.000000e+00 : f32
    %max3A_117 = vector.broadcast %max3A_116 : f32 to vector<1024x128xf32>
    %max3A_118 = arith.maximumf %add3A_115, %max3A_117 : vector<1024x128xf32>
    %add3A_119 = arith.addf %add3A_95, %max3A_118 : vector<1024x128xf32>
    %get3A_120 = arith.constant 0 : index
    %get3A_121 = arith.constant 4 : index
    %get3A_122 = arith.constant 0 : index
    %get3A_123 = vector.load %arg1[%get3A_120, %get3A_121, %get3A_122] : memref<1024x10x128xf32, #tpu.memory_space<vmem>>, vector<1024x1x128xf32>
    %get3A_124 = vector.shape_cast %get3A_123 : vector<1024x1x128xf32> to vector<1024x128xf32>
    %dot_general3A_125 = arith.constant dense<0.000000e+00> : vector<1024x128xf32>
    %dot_general3A_126 = tpu.matmul %get3A_124, %get3A_1, %dot_general3A_125 {dimension_numbers = #tpu.dot_dimension_numbers<[1], [0], [0], [1], [0, 0, 1, 1], [], []>, transpose_lhs_hint = false} : vector<1024x128xf32>, vector<128x128xf32>, vector<1024x128xf32> -> vector<1024x128xf32>
    %get3A_127 = arith.constant 0 : index
    %get3A_128 = arith.constant 4 : index
    %get3A_129 = arith.constant 0 : index
    %get3A_130 = vector.load %arg3[%get3A_127, %get3A_128, %get3A_129] : memref<1024x10x128xf32, #tpu.memory_space<vmem>>, vector<1024x1x128xf32>
    %get3A_131 = vector.shape_cast %get3A_130 : vector<1024x1x128xf32> to vector<1024x128xf32>
    %mul3A_132 = arith.constant 4.000000e-02 : f32
    %mul3A_133 = vector.broadcast %mul3A_132 : f32 to vector<1024x128xf32>
    %mul3A_134 = arith.mulf %get3A_131, %mul3A_133 : vector<1024x128xf32>
    %dot_general3A_135 = arith.constant dense<0.000000e+00> : vector<1024x128xf32>
    %dot_general3A_136 = tpu.matmul %mul3A_134, %get3A_7, %dot_general3A_135 {dimension_numbers = #tpu.dot_dimension_numbers<[1], [0], [0], [1], [0, 0, 1, 1], [], []>, transpose_lhs_hint = false} : vector<1024x128xf32>, vector<128x128xf32>, vector<1024x128xf32> -> vector<1024x128xf32>
    %add3A_137 = arith.addf %dot_general3A_126, %dot_general3A_136 : vector<1024x128xf32>
    %add3A_138 = vector.broadcast %get3A_4 : vector<1x128xf32> to vector<1024x128xf32>
    %add3A_139 = arith.addf %add3A_137, %add3A_138 : vector<1024x128xf32>
    %max3A_140 = arith.constant 0.000000e+00 : f32
    %max3A_141 = vector.broadcast %max3A_140 : f32 to vector<1024x128xf32>
    %max3A_142 = arith.maximumf %add3A_139, %max3A_141 : vector<1024x128xf32>
    %add3A_143 = arith.addf %add3A_119, %max3A_142 : vector<1024x128xf32>
    %get3A_144 = arith.constant 0 : index
    %get3A_145 = arith.constant 5 : index
    %get3A_146 = arith.constant 0 : index
    %get3A_147 = vector.load %arg1[%get3A_144, %get3A_145, %get3A_146] : memref<1024x10x128xf32, #tpu.memory_space<vmem>>, vector<1024x1x128xf32>
    %get3A_148 = vector.shape_cast %get3A_147 : vector<1024x1x128xf32> to vector<1024x128xf32>
    %dot_general3A_149 = arith.constant dense<0.000000e+00> : vector<1024x128xf32>
    %dot_general3A_150 = tpu.matmul %get3A_148, %get3A_1, %dot_general3A_149 {dimension_numbers = #tpu.dot_dimension_numbers<[1], [0], [0], [1], [0, 0, 1, 1], [], []>, transpose_lhs_hint = false} : vector<1024x128xf32>, vector<128x128xf32>, vector<1024x128xf32> -> vector<1024x128xf32>
    %get3A_151 = arith.constant 0 : index
    %get3A_152 = arith.constant 5 : index
    %get3A_153 = arith.constant 0 : index
    %get3A_154 = vector.load %arg3[%get3A_151, %get3A_152, %get3A_153] : memref<1024x10x128xf32, #tpu.memory_space<vmem>>, vector<1024x1x128xf32>
    %get3A_155 = vector.shape_cast %get3A_154 : vector<1024x1x128xf32> to vector<1024x128xf32>
    %mul3A_156 = arith.constant 4.000000e-02 : f32
    %mul3A_157 = vector.broadcast %mul3A_156 : f32 to vector<1024x128xf32>
    %mul3A_158 = arith.mulf %get3A_155, %mul3A_157 : vector<1024x128xf32>
    %dot_general3A_159 = arith.constant dense<0.000000e+00> : vector<1024x128xf32>
    %dot_general3A_160 = tpu.matmul %mul3A_158, %get3A_7, %dot_general3A_159 {dimension_numbers = #tpu.dot_dimension_numbers<[1], [0], [0], [1], [0, 0, 1, 1], [], []>, transpose_lhs_hint = false} : vector<1024x128xf32>, vector<128x128xf32>, vector<1024x128xf32> -> vector<1024x128xf32>
    %add3A_161 = arith.addf %dot_general3A_150, %dot_general3A_160 : vector<1024x128xf32>
    %add3A_162 = vector.broadcast %get3A_4 : vector<1x128xf32> to vector<1024x128xf32>
    %add3A_163 = arith.addf %add3A_161, %add3A_162 : vector<1024x128xf32>
    %max3A_164 = arith.constant 0.000000e+00 : f32
    %max3A_165 = vector.broadcast %max3A_164 : f32 to vector<1024x128xf32>
    %max3A_166 = arith.maximumf %add3A_163, %max3A_165 : vector<1024x128xf32>
    %add3A_167 = arith.addf %add3A_143, %max3A_166 : vector<1024x128xf32>
    %get3A_168 = arith.constant 0 : index
    %get3A_169 = arith.constant 6 : index
    %get3A_170 = arith.constant 0 : index
    %get3A_171 = vector.load %arg1[%get3A_168, %get3A_169, %get3A_170] : memref<1024x10x128xf32, #tpu.memory_space<vmem>>, vector<1024x1x128xf32>
    %get3A_172 = vector.shape_cast %get3A_171 : vector<1024x1x128xf32> to vector<1024x128xf32>
    %dot_general3A_173 = arith.constant dense<0.000000e+00> : vector<1024x128xf32>
    %dot_general3A_174 = tpu.matmul %get3A_172, %get3A_1, %dot_general3A_173 {dimension_numbers = #tpu.dot_dimension_numbers<[1], [0], [0], [1], [0, 0, 1, 1], [], []>, transpose_lhs_hint = false} : vector<1024x128xf32>, vector<128x128xf32>, vector<1024x128xf32> -> vector<1024x128xf32>
    %get3A_175 = arith.constant 0 : index
    %get3A_176 = arith.constant 6 : index
    %get3A_177 = arith.constant 0 : index
    %get3A_178 = vector.load %arg3[%get3A_175, %get3A_176, %get3A_177] : memref<1024x10x128xf32, #tpu.memory_space<vmem>>, vector<1024x1x128xf32>
    %get3A_179 = vector.shape_cast %get3A_178 : vector<1024x1x128xf32> to vector<1024x128xf32>
    %mul3A_180 = arith.constant 4.000000e-02 : f32
    %mul3A_181 = vector.broadcast %mul3A_180 : f32 to vector<1024x128xf32>
    %mul3A_182 = arith.mulf %get3A_179, %mul3A_181 : vector<1024x128xf32>
    %dot_general3A_183 = arith.constant dense<0.000000e+00> : vector<1024x128xf32>
    %dot_general3A_184 = tpu.matmul %mul3A_182, %get3A_7, %dot_general3A_183 {dimension_numbers = #tpu.dot_dimension_numbers<[1], [0], [0], [1], [0, 0, 1, 1], [], []>, transpose_lhs_hint = false} : vector<1024x128xf32>, vector<128x128xf32>, vector<1024x128xf32> -> vector<1024x128xf32>
    %add3A_185 = arith.addf %dot_general3A_174, %dot_general3A_184 : vector<1024x128xf32>
    %add3A_186 = vector.broadcast %get3A_4 : vector<1x128xf32> to vector<1024x128xf32>
    %add3A_187 = arith.addf %add3A_185, %add3A_186 : vector<1024x128xf32>
    %max3A_188 = arith.constant 0.000000e+00 : f32
    %max3A_189 = vector.broadcast %max3A_188 : f32 to vector<1024x128xf32>
    %max3A_190 = arith.maximumf %add3A_187, %max3A_189 : vector<1024x128xf32>
    %add3A_191 = arith.addf %add3A_167, %max3A_190 : vector<1024x128xf32>
    %get3A_192 = arith.constant 0 : index
    %get3A_193 = arith.constant 7 : index
    %get3A_194 = arith.constant 0 : index
    %get3A_195 = vector.load %arg1[%get3A_192, %get3A_193, %get3A_194] : memref<1024x10x128xf32, #tpu.memory_space<vmem>>, vector<1024x1x128xf32>
    %get3A_196 = vector.shape_cast %get3A_195 : vector<1024x1x128xf32> to vector<1024x128xf32>
    %dot_general3A_197 = arith.constant dense<0.000000e+00> : vector<1024x128xf32>
    %dot_general3A_198 = tpu.matmul %get3A_196, %get3A_1, %dot_general3A_197 {dimension_numbers = #tpu.dot_dimension_numbers<[1], [0], [0], [1], [0, 0, 1, 1], [], []>, transpose_lhs_hint = false} : vector<1024x128xf32>, vector<128x128xf32>, vector<1024x128xf32> -> vector<1024x128xf32>
    %get3A_199 = arith.constant 0 : index
    %get3A_200 = arith.constant 7 : index
    %get3A_201 = arith.constant 0 : index
    %get3A_202 = vector.load %arg3[%get3A_199, %get3A_200, %get3A_201] : memref<1024x10x128xf32, #tpu.memory_space<vmem>>, vector<1024x1x128xf32>
    %get3A_203 = vector.shape_cast %get3A_202 : vector<1024x1x128xf32> to vector<1024x128xf32>
    %mul3A_204 = arith.constant 4.000000e-02 : f32
    %mul3A_205 = vector.broadcast %mul3A_204 : f32 to vector<1024x128xf32>
    %mul3A_206 = arith.mulf %get3A_203, %mul3A_205 : vector<1024x128xf32>
    %dot_general3A_207 = arith.constant dense<0.000000e+00> : vector<1024x128xf32>
    %dot_general3A_208 = tpu.matmul %mul3A_206, %get3A_7, %dot_general3A_207 {dimension_numbers = #tpu.dot_dimension_numbers<[1], [0], [0], [1], [0, 0, 1, 1], [], []>, transpose_lhs_hint = false} : vector<1024x128xf32>, vector<128x128xf32>, vector<1024x128xf32> -> vector<1024x128xf32>
    %add3A_209 = arith.addf %dot_general3A_198, %dot_general3A_208 : vector<1024x128xf32>
    %add3A_210 = vector.broadcast %get3A_4 : vector<1x128xf32> to vector<1024x128xf32>
    %add3A_211 = arith.addf %add3A_209, %add3A_210 : vector<1024x128xf32>
    %max3A_212 = arith.constant 0.000000e+00 : f32
    %max3A_213 = vector.broadcast %max3A_212 : f32 to vector<1024x128xf32>
    %max3A_214 = arith.maximumf %add3A_211, %max3A_213 : vector<1024x128xf32>
    %add3A_215 = arith.addf %add3A_191, %max3A_214 : vector<1024x128xf32>
    %get3A_216 = arith.constant 0 : index
    %get3A_217 = arith.constant 8 : index
    %get3A_218 = arith.constant 0 : index
    %get3A_219 = vector.load %arg1[%get3A_216, %get3A_217, %get3A_218] : memref<1024x10x128xf32, #tpu.memory_space<vmem>>, vector<1024x1x128xf32>
    %get3A_220 = vector.shape_cast %get3A_219 : vector<1024x1x128xf32> to vector<1024x128xf32>
    %dot_general3A_221 = arith.constant dense<0.000000e+00> : vector<1024x128xf32>
    %dot_general3A_222 = tpu.matmul %get3A_220, %get3A_1, %dot_general3A_221 {dimension_numbers = #tpu.dot_dimension_numbers<[1], [0], [0], [1], [0, 0, 1, 1], [], []>, transpose_lhs_hint = false} : vector<1024x128xf32>, vector<128x128xf32>, vector<1024x128xf32> -> vector<1024x128xf32>
    %get3A_223 = arith.constant 0 : index
    %get3A_224 = arith.constant 8 : index
    %get3A_225 = arith.constant 0 : index
    %get3A_226 = vector.load %arg3[%get3A_223, %get3A_224, %get3A_225] : memref<1024x10x128xf32, #tpu.memory_space<vmem>>, vector<1024x1x128xf32>
    %get3A_227 = vector.shape_cast %get3A_226 : vector<1024x1x128xf32> to vector<1024x128xf32>
    %mul3A_228 = arith.constant 4.000000e-02 : f32
    %mul3A_229 = vector.broadcast %mul3A_228 : f32 to vector<1024x128xf32>
    %mul3A_230 = arith.mulf %get3A_227, %mul3A_229 : vector<1024x128xf32>
    %dot_general3A_231 = arith.constant dense<0.000000e+00> : vector<1024x128xf32>
    %dot_general3A_232 = tpu.matmul %mul3A_230, %get3A_7, %dot_general3A_231 {dimension_numbers = #tpu.dot_dimension_numbers<[1], [0], [0], [1], [0, 0, 1, 1], [], []>, transpose_lhs_hint = false} : vector<1024x128xf32>, vector<128x128xf32>, vector<1024x128xf32> -> vector<1024x128xf32>
    %add3A_233 = arith.addf %dot_general3A_222, %dot_general3A_232 : vector<1024x128xf32>
    %add3A_234 = vector.broadcast %get3A_4 : vector<1x128xf32> to vector<1024x128xf32>
    %add3A_235 = arith.addf %add3A_233, %add3A_234 : vector<1024x128xf32>
    %max3A_236 = arith.constant 0.000000e+00 : f32
    %max3A_237 = vector.broadcast %max3A_236 : f32 to vector<1024x128xf32>
    %max3A_238 = arith.maximumf %add3A_235, %max3A_237 : vector<1024x128xf32>
    %add3A_239 = arith.addf %add3A_215, %max3A_238 : vector<1024x128xf32>
    %get3A_240 = arith.constant 0 : index
    %get3A_241 = arith.constant 9 : index
    %get3A_242 = arith.constant 0 : index
    %get3A_243 = vector.load %arg1[%get3A_240, %get3A_241, %get3A_242] : memref<1024x10x128xf32, #tpu.memory_space<vmem>>, vector<1024x1x128xf32>
    %get3A_244 = vector.shape_cast %get3A_243 : vector<1024x1x128xf32> to vector<1024x128xf32>
    %dot_general3A_245 = arith.constant dense<0.000000e+00> : vector<1024x128xf32>
    %dot_general3A_246 = tpu.matmul %get3A_244, %get3A_1, %dot_general3A_245 {dimension_numbers = #tpu.dot_dimension_numbers<[1], [0], [0], [1], [0, 0, 1, 1], [], []>, transpose_lhs_hint = false} : vector<1024x128xf32>, vector<128x128xf32>, vector<1024x128xf32> -> vector<1024x128xf32>
    %get3A_247 = arith.constant 0 : index
    %get3A_248 = arith.constant 9 : index
    %get3A_249 = arith.constant 0 : index
    %get3A_250 = vector.load %arg3[%get3A_247, %get3A_248, %get3A_249] : memref<1024x10x128xf32, #tpu.memory_space<vmem>>, vector<1024x1x128xf32>
    %get3A_251 = vector.shape_cast %get3A_250 : vector<1024x1x128xf32> to vector<1024x128xf32>
    %mul3A_252 = arith.constant 4.000000e-02 : f32
    %mul3A_253 = vector.broadcast %mul3A_252 : f32 to vector<1024x128xf32>
    %mul3A_254 = arith.mulf %get3A_251, %mul3A_253 : vector<1024x128xf32>
    %dot_general3A_255 = arith.constant dense<0.000000e+00> : vector<1024x128xf32>
    %dot_general3A_256 = tpu.matmul %mul3A_254, %get3A_7, %dot_general3A_255 {dimension_numbers = #tpu.dot_dimension_numbers<[1], [0], [0], [1], [0, 0, 1, 1], [], []>, transpose_lhs_hint = false} : vector<1024x128xf32>, vector<128x128xf32>, vector<1024x128xf32> -> vector<1024x128xf32>
    %add3A_257 = arith.addf %dot_general3A_246, %dot_general3A_256 : vector<1024x128xf32>
    %add3A_258 = vector.broadcast %get3A_4 : vector<1x128xf32> to vector<1024x128xf32>
    %add3A_259 = arith.addf %add3A_257, %add3A_258 : vector<1024x128xf32>
    %max3A_260 = arith.constant 0.000000e+00 : f32
    %max3A_261 = vector.broadcast %max3A_260 : f32 to vector<1024x128xf32>
    %max3A_262 = arith.maximumf %add3A_259, %max3A_261 : vector<1024x128xf32>
    %add3A_263 = arith.addf %add3A_239, %max3A_262 : vector<1024x128xf32>
    %get3A_264 = arith.constant 0 : index
    %get3A_265 = arith.constant 0 : index
    %get3A_266 = vector.load %arg7[%get3A_264, %get3A_265] : memref<128x128xf32, #tpu.memory_space<vmem>>, vector<128x128xf32>
    %dot_general3A_267 = arith.constant dense<0.000000e+00> : vector<1024x128xf32>
    %dot_general3A_268 = tpu.matmul %max3A_22, %get3A_266, %dot_general3A_267 {dimension_numbers = #tpu.dot_dimension_numbers<[1], [0], [0], [1], [0, 0, 1, 1], [], []>, transpose_lhs_hint = false} : vector<1024x128xf32>, vector<128x128xf32>, vector<1024x128xf32> -> vector<1024x128xf32>
    %mul3A_269 = arith.constant 1.000000e-01 : f32
    %mul3A_270 = vector.broadcast %mul3A_269 : f32 to vector<1024x128xf32>
    %mul3A_271 = arith.mulf %add3A_263, %mul3A_270 : vector<1024x128xf32>
    %get3A_272 = arith.constant 0 : index
    %get3A_273 = arith.constant 0 : index
    %get3A_274 = vector.load %arg8[%get3A_272, %get3A_273] : memref<128x128xf32, #tpu.memory_space<vmem>>, vector<128x128xf32>
    %dot_general3A_275 = arith.constant dense<0.000000e+00> : vector<1024x128xf32>
    %dot_general3A_276 = tpu.matmul %mul3A_271, %get3A_274, %dot_general3A_275 {dimension_numbers = #tpu.dot_dimension_numbers<[1], [0], [0], [1], [0, 0, 1, 1], [], []>, transpose_lhs_hint = false} : vector<1024x128xf32>, vector<128x128xf32>, vector<1024x128xf32> -> vector<1024x128xf32>
    %add3A_277 = arith.addf %dot_general3A_268, %dot_general3A_276 : vector<1024x128xf32>
    %get3A_278 = arith.constant 0 : index
    %get3A_279 = arith.constant 0 : index
    %get3A_280 = vector.load %arg9[%get3A_278, %get3A_279] : memref<1x128xf32, #tpu.memory_space<vmem>>, vector<1x128xf32>
    %add3A_281 = vector.broadcast %get3A_280 : vector<1x128xf32> to vector<1024x128xf32>
    %add3A_282 = arith.addf %add3A_277, %add3A_281 : vector<1024x128xf32>
    %swap3A = arith.constant 0 : index
    %swap3A_283 = arith.constant 0 : index
    %swap3A_284 = vector.load %arg10[%swap3A, %swap3A_283] : memref<1024x128xf32, #tpu.memory_space<vmem>>, vector<1024x128xf32>
    tpu.vector_store %arg10[%swap3A, %swap3A_283], %add3A_282 {strides = array<i32>} : memref<1024x128xf32, #tpu.memory_space<vmem>>, vector<1024x128xf32>,
    return
  }
}

</mosaic_0001>

<sc_bundles>
// kernel: kernel.4.cloned.1.call-start
scs
__scs_entry_jumppad:
0x0: {  	(pc) =	sbr.rel $0x88, $3  }
0x1: {  	(tag) =	ssettag $0x0;
	lr =	simm.s32 $0x1  }
0x2: {  	[smem:$0x3F97] =	sst lr;
	_ =	strace $0xD0000000  }
0x3: {  	_ = 	snop  }
0x4: {  	_ = 	snop  }
0x5: {  	_ = 	snop  }
0x6: {  	_ = 	snop  }
0x7: {  	_ = 	snop  }
__scs_overlays_trampoline_lowered:
0x8: {  	[smem:$0x3FA6] =	sst s0  }
0x9: {  	[smem:$0x3FA7] =	sst s1  }
0xa: {  	[smem:$0x3FA8] =	sst s2  }
0xb: {  	[smem:$0x3FA9] =	sst s3  }
0xc: {  	[smem:$0x3FAA] =	sst s4  }
0xd: {  	[smem:$0x3FAB] =	sst s5  }
0xe: {  	[smem:$0x3FAC] =	sst s6  }
0xf: {  	[smem:$0x3FAD] =	sst s7  }
0x10: {  	[smem:$0x3FAE] =	sst s8  }
0x11: {  	[smem:$0x3FAF] =	sst s9;
	s0 =	simm.s32 @!p0 $0x0  }
0x12: {  	s1 =	sld [smem:$0x3F95];
	s0 =	simm.s32 @p0 $0x1  }
0x13: {  	[smem:$0x3FB0] =	sst s0;
	s0 =	simm.s32 @!p1 $0x0  }
0x14: {  	s2 =	sld [smem:$0x3F94];
	s0 =	simm.s32 @p1 $0x1  }
0x15: {  	[smem:$0x3FB1] =	sst s0;
	s0 =	simm.s32 @!p2 $0x0  }
0x16: {  	s3 =	sld [smem:$0x3FDB];
	s0 =	simm.s32 @p2 $0x1  }
0x17: {  	s4 =	simm.s32 $0x1BF5;
	[smem:$0x3FB3] =	sst s0  }
0x18: {  	s0 =	sld [smem:$0x3F96];
	_ =	swait.ge [sflag:s4], $0x0  }
0x19: {  	s7 =	sld [smem:$0x3F97]  }
0x1a: {  	s8 =	sadd.s32 $0xFFFFE003, lr  }
0x1b: {  	s9 =	sadd.s32 $0xFFFFFEF7, lr;
	s5 =	simm.s32 $0xFFFFFFFF;
	p2 =	slt.u32 s8, $0xFFFFF086  }
0x1c: {  	p1 =	slt.u32 s9, $0xF7A;
	s5 =	simm.s32 @!p2 $0x0  }
0x1d: {  	s5 =	simm.s32 @p1 $0x1;
	p0 =	seq.s32 s7, s2  }
0x1e: {  	s7 =	smul.u32 @!p0 $0xF7A, s2;
	p2 =	seq.s32 @!p0 s5, $0x0  }
0x1f: {  	s9 =	smul.u32 $0xF7A, s1;
	s8 =	simm.s32 @!p0 $0x1BF5;
	p2 =	por !p2, p0  }
0x20: {  	[sflag:s8] =	ssyncset.s32 @!p0 $0xFFFFF086;
	s6 =	sadd.s32 @!p0 s3, s7;
	s7 =	simm.s32 @!p0 $0x108  }
0x21: {  	s3 =	sadd.s32 s3, s9;
	s6 =	sadd.s32 @!p0 $0x88, s6;
	s7 =	simm.s32 @p2 $0x1082  }
0x22: {  	[simem:s7], [sflag:s8] =	dma.local @!p0 [hbm:s6], $0xF7A  }
0x23: {  	s9 =	sor.u32 $0xD0000000, s2;
	s6 =	simm.s32 $0x108;
	_ =	swait.ge @!p0 [sflag:s8], $0x0  }
0x24: {  	s3 =	sadd.s32 $0x88, s3;
	s6 =	simm.s32 @!p1 $0x1082;
	[sflag:s4] =	ssyncset.s32 $0xFFFFF086  }
0x25: {  	[simem:s6], [sflag:s4] =	dma.local [hbm:s3], $0xF7A  }
0x26: {  	[smem:$0x3F97] =	sst s1;
	(tag) =	ssettag s2;
	_ =	strace s9  }
0x27: {  	s1 =	sld [smem:$0x3FA7]  }
0x28: {  	s2 =	sld [smem:$0x3FA8]  }
0x29: {  	s4 =	sld [smem:$0x3FAA]  }
0x2a: {  	p0 =	seq.s32 s5, $0x0;
	s5 =	sld [smem:$0x3FAB]  }
0x2b: {  	s6 =	sld [smem:$0x3FAC]  }
0x2c: {  	s7 =	sld [smem:$0x3FAD]  }
0x2d: {  	s3 =	simm.s32 $0x108;
	s8 =	sld [smem:$0x3FAE]  }
0x2e: {  	s3 =	simm.s32 @!p0 $0x1082;
	s9 =	sld [smem:$0x3FAF]  }
0x2f: {  	lr =	sadd.s32 s0, s3;
	s0 =	sld [smem:$0x3FA6]  }
0x30: {  	s3 =	sld [smem:$0x3FA9]  }
0x31: {  	[smem:$0x3FB2] =	sst s10  }
0x32: {  	s10 =	sld [smem:$0x3FB0];
	_ =	sdelay $0x3  }
0x33: {  	p0 =	seq.s32 s10, $0x1;
	s10 =	sld [smem:$0x3FB2];
	_ =	sdelay $0x3  }
0x34: {  	[smem:$0x3FB2] =	sst s10  }
0x35: {  	s10 =	sld [smem:$0x3FB1];
	_ =	sdelay $0x3  }
0x36: {  	p1 =	seq.s32 s10, $0x1;
	s10 =	sld [smem:$0x3FB2];
	_ =	sdelay $0x3  }
0x37: {  	[smem:$0x3FB2] =	sst s10  }
0x38: {  	s10 =	sld [smem:$0x3FB3]  }
0x39: {  	_ = 	snop;
	(pc) =	sbr.ind lr, $3  }
0x3a: {  	_ = 	snop  }
0x3b: {  	_ = 	snop  }
0x3c: {  	p2 =	seq.s32 s10, $0x1;
	s10 =	sld [smem:$0x3FB2]  }
0x3d: {  	_ =	shalt  }
0x3e: {  	_ =	shalt  }
0x3f: {  	_ =	shalt  }
0x40: {  	_ =	shalt  }
0x41: {  	_ =	shalt  }
0x42: {  	_ =	shalt  }
0x43: {  	_ =	shalt  }
0x44: {  	_ =	shalt  }
0x45: {  	_ =	shalt  }
0x46: {  	_ =	shalt  }
0x47: {  	_ =	shalt  }
0x48: {  	_ =	shalt  }
0x49: {  	_ =	shalt  }
0x4a: {  	_ =	shalt  }
0x4b: {  	_ =	shalt  }
0x4c: {  	_ =	shalt  }
0x4d: {  	_ =	shalt  }
0x4e: {  	_ =	shalt  }
0x4f: {  	_ =	shalt  }
0x50: {  	_ =	shalt  }
0x51: {  	_ =	shalt  }
0x52: {  	_ =	shalt  }
0x53: {  	_ =	shalt  }
0x54: {  	_ =	shalt  }
0x55: {  	_ =	shalt  }
0x56: {  	_ =	shalt  }
0x57: {  	_ =	shalt  }
0x58: {  	_ =	shalt  }
0x59: {  	_ =	shalt  }
0x5a: {  	_ =	shalt  }
0x5b: {  	_ =	shalt  }
0x5c: {  	_ =	shalt  }
0x5d: {  	_ =	shalt  }
0x5e: {  	_ =	shalt  }
0x5f: {  	_ =	shalt  }
0x60: {  	_ =	shalt  }
0x61: {  	_ =	shalt  }
0x62: {  	_ =	shalt  }
0x63: {  	_ =	shalt  }
0x64: {  	_ =	shalt  }
0x65: {  	_ =	shalt  }
0x66: {  	_ =	shalt  }
0x67: {  	_ =	shalt  }
0x68: {  	_ =	shalt  }
0x69: {  	_ =	shalt  }
0x6a: {  	_ =	shalt  }
0x6b: {  	_ =	shalt  }
0x6c: {  	_ =	shalt  }
0x6d: {  	_ =	shalt  }
0x6e: {  	_ =	shalt  }
0x6f: {  	_ =	shalt  }
0x70: {  	_ =	shalt  }
0x71: {  	_ =	shalt  }
0x72: {  	_ =	shalt  }
0x73: {  	_ =	shalt  }
0x74: {  	_ =	shalt  }
0x75: {  	_ =	shalt  }
0x76: {  	_ =	shalt  }
0x77: {  	_ =	shalt  }
0x78: {  	_ =	shalt  }
0x79: {  	_ =	shalt  }
0x7a: {  	_ =	shalt  }
0x7b: {  	_ =	shalt  }
0x7c: {  	_ =	shalt  }
0x7d: {  	_ =	shalt  }
0x7e: {  	_ =	shalt  }
0x7f: {  	_ =	shalt  }
0x80: {  	_ =	shalt  }
0x81: {  	_ =	shalt  }
0x82: {  	_ =	shalt  }
0x83: {  	_ =	shalt  }
0x84: {  	_ =	shalt  }
0x85: {  	_ =	shalt  }
0x86: {  	_ =	shalt  }
0x87: {  	_ =	shalt  }
.Lfunc_end0:
.L_simem_size_0:
called_computation_lowered:
.L_overlay_start_0:
0x88: {  	s2 =	sld [smem:$0x3FD9]  }
0x89: {  	s3 =	sld [smem:$0x3FFE];
	_ =	sdelay $0x1  }
0x8a: {  	s1 =	srdreg.scid  }
0x8b: {  	s0 =	sand.u32 $0x1, s1  }
0x8c: {  	s17 =	sshll.u32 s0, $0xA;
	s2 =	sadd.s32 s3, s2  }
0x8d: {  	s2 =	sadd.s32 s2, s17  }
0x8e: {  	[smem:$0x3FBE] =	sst s2  }
0x8f: {  	_ = 	snop  }
0x90: {  	s2 =	sld [smem:$0x3FC6]  }
0x91: {  	s18 =	sld [smem:$0x3FD0];
	(tm) =	ssettm $0x1  }
0x92: {  	s4 =	sld [smem:$0x3FFB];
	_ =	sdelay $0x3  }
0x93: {  	_ =	strace s4  }
0x94: {  	s4 =	sld [smem:$0x3FFC];
	_ =	sdelay $0x3  }
0x95: {  	_ =	strace s4  }
0x96: {  	s4 =	sld [smem:$0x3FFD];
	_ =	sdelay $0x3  }
0x97: {  	_ =	strace s4  }
0x98: {  	_ =	strace $0x8FFFFFFF  }
0x99: {  	s19 =	sld [smem:$0x3FDB];
	_ =	sdelay $0x1  }
0x9a: {  	s5 =	simm.s32 $_scs_section_size  }
0x9b: {  	s6 =	simm.s32 $_size__tile_overlayer_lowered;
	s7 =	simm.s32 $_tile_overlayer_lowered  }
0x9c: {  	s22 =	simm.s32 $0x1BFF;
	s21 =	sshll.u32 s7, $0x1;
	s4 =	sadd.s32 s5, s19  }
0x9d: {  	s8 =	simm.s32 $0x0;
	s20 =	sshll.u32 s6, $0x1;
	s6 =	sadd.s32 s21, s4  }
0x9e: {  	[timem:s8], [sflag:s22] =	dma.local [hbm:s6], s20  }
0x9f: {  	_ =	swait.ge [sflag:s22], s20  }
0xa0: {  	s5 =	ssub.s32 $0x0, s20;
	[sflag:s22] =	ssyncset.done $0x0  }
0xa1: {  	[sflag:s22] =	ssyncadd.s32 s5;
	_ =	sdelay $0x1  }
0xa2: {  	s23 =	simm.s32 $0x1B8B  }
0xa3: {  	_ =	swait.ge [sflag:s23], $0x1  }
0xa4: {  	[sflag:s23] =	ssyncset.done $0x0  }
0xa5: {  	s25 =	simm.s32 $0x1B8E;
	s24 =	sld [smem:$0x3FFE];
	[sflag:s23] =	ssyncadd.s32 $0xFFFFFFFF  }
0xa6: {  	s26 =	simm.s32 $execute0_lowered;
	[smem:$0x3FD2] =	sst s25  }
0xa7: {  	s6 =	sshll.u32 s26, $0x1;
	_ =	strace $0x80000046;
	[dreg:$0x1] =	wrdreg $0xFFFFFFFF  }
0xa8: {  	s28 =	simm.s32 $_size_execute0_lowered;
	s4 =	sadd.s32 s4, s6;
	[dreg:$0x0] =	wrdreg $0x0  }
0xa9: {  	s6 =	sshll.u32 s28, $0x1;
	[dreg:$0x2] =	wrdreg s4  }
0xaa: {  	[dreg:$0x3] =	wrdreg s6  }
0xab: {  	[dreg:$0x4] =	wrdreg $0xC0  }
0xac: {  	_ =	task [dreg:s8], $0x5FFFF  }
0xad: {  	[dreg:$0x1] =	wrdreg $0xFFFFFFFF  }
0xae: {  	[dreg:$0x0] =	wrdreg $0x60  }
0xaf: {  	[dreg:$0x2] =	wrdreg s2  }
0xb0: {  	[dreg:$0x3] =	wrdreg s24  }
0xb1: {  	[dreg:$0x4] =	wrdreg s18  }
0xb2: {  	[dreg:$0x5] =	wrdreg $0x144800  }
0xb3: {  	[dreg:$0x6] =	wrdreg $0x1E4800  }
0xb4: {  	[dreg:$0x7] =	wrdreg $0x9  }
0xb5: {  	_ =	task.clear_ibuf [dreg:s8], $0x8FFFF;
	_ =	strace $0x90000046  }
0xb6: {  	s29 =	simm.s32 $0x9;
	_ =	strace $0x80000048  }
0xb7: {  	_ =	swait.ge [sflag:s29], $0x1  }
0xb8: {  	[sflag:s29] =	ssyncadd.s32 $0xFFFFFFFF  }
0xb9: {  	_ =	strace $0x90000048  }
0xba: {  	_ =	sfence  }
0xbb: {  	s30 =	sld [smem:$0x0];
	_ =	sdelay $0x2  }
0xbc: {  	s31 =	sshll.u32 s1, $0xD;
	s1 =	sshrl.u32 s1, $0x2  }
0xbd: {  	s3 =	sand.u32 $0x4000, s31;
	s1 =	sadd.s32 s1, s30  }
0xbe: {  	s0 =	sor.u32 s3, s0;
	s1 =	sshll.u32 s1, $0x11  }
0xbf: {  	s0 =	sor.u32 s1, s0  }
0xc0: {  	s0 =	sadd.s32 $0x8F2B, s0  }
0xc1: {  	[sflag:s0] =	ssyncadd.remote.s32 $0x1  }
0xc2: {  	_ =	sfence.sel $0xFFFF  }
0xc3: {  	[dreg:$0x0] =	wrdreg $0xFFFFFFFF;
	(pc) =	sbr.abs _section_cstart, $3  }
0xc4: {  	[dreg:$0x1] =	wrdreg $0xFFFFFFFF  }
0xc5: {  	_ =	task.clear_ibuf [dreg:s8], $0x2FFFF;
	_ =	strace $0x9FFFFFFF  }
0xc6: {  	(tm) =	ssettm $0x7FFFFFFF  }
0xc7: {  	_ =	shalt  }
tec
execute0_lowered:
.L_overlay_start_1:
0x0: {  	(tag) =	ssettag $0x1  }
0x1: {  	s0 =	rddreg [dreg:$0x0]  }
0x2: {  	s1 =	rddreg [dreg:$0x1]  }
0x3: {  	s2 =	rddreg [dreg:$0x2];
	s4 =	srdreg.scid  }
0x4: {  	s3 =	rddreg [dreg:$0x3];
	s17 =	stileid.u32  }
0x5: {  	s5 =	simm.s32 $0x0;
	s28 =	simm.s32 $0x6C00;
	s30 =	simm.s32 $0x13480  }
0x6: {  	s31 =	simm.s32 $0x50;
	s6 =	sand.u32 $0x1, s4;
	s4 =	rddreg [dreg:$0x4]  }
0x7: {  	s29 =	simm.s32 $0xBC80;
	[smem:$0x7FF] =	sst s5;
	s10 =	sshll.u32 s17, $0x4  }
0x8: {  	s12 =	sadd.s32 $0x1CC00, s1;
	s16 =	sadd.s32 $0x30C00, s1;
	s18 =	smul.u32 $0x28000, s17  }
0x9: {  	s19 =	smul.u32 $0x1400, s17;
	s22 =	sshll.u32 s17, $0xC;
	s23 =	sshll.u32 s17, $0x9  }
0xa: {  	s7 =	sshll.u32 s6, $0x4;
	_ =	strace $0x80000047;
	s10 =	sand.u32 $0x70, s10  }
0xb: {  	s6 =	ssub.s32 $0x2, s6;
	s7 =	sor.u32 s17, s7;
	s10 =	sadd.s32 s10, s1  }
0xc: {  	s15 =	sshrl.u32 s6, $0x1;
	s20 =	sshrl.u32 s18, $0x2;
	s8 =	smul.u32 $0x680, s7  }
0xd: {  	s21 =	sadd.s32 s12, s19;
	s9 =	sshll.u32 s7, $0x6;
	s11 =	smul.u32 $0x1400, s7  }
0xe: {  	s14 =	sshll.u32 s7, $0x9;
	s6 =	ssub.s32 s6, s15;
	s25 =	sshll.u32 s7, $0x4  }
0xf: {  	s7 =	smul.u32 $0xA000, s7;
	[dreg:$0xc] =	wrdreg s21;
	s9 =	sadd.s32 s9, s1  }
0x10: {  	s21 =	sadd.s32 s2, s14;
	s2 =	simm.s32 $0x9480;
	s26 =	sadd.s32 $0x1C00, s9  }
0x11: {  	s8 =	sadd.s32 s8, s1;
	s9 =	sadd.s32 $0xF400, s9;
	[dreg:$0x8] =	wrdreg s26  }
0x12: {  	s13 =	sadd.s32 s11, s1;
	s24 =	sadd.s32 $0x2400, s8;
	[dreg:$0x9] =	wrdreg s9  }
0x13: {  	s1 =	sadd.s32 s14, s1;
	s8 =	sadd.s32 $0xFC00, s8;
	[dreg:$0x6] =	wrdreg s24  }
0x14: {  	s7 =	sshrl.u32 s7, $0x3;
	s1 =	sadd.s32 $0x80C00, s1;
	[dreg:$0x7] =	wrdreg s8  }
0x15: {  	s7 =	sadd.s32 s16, s7;
	s24 =	sadd.s32 s16, s11;
	[dreg:$0x13] =	wrdreg s1  }
0x16: {  	s8 =	sand.u32 $0x180, s25;
	s25 =	sadd.s32 $0x500, s7;
	[dreg:$0xf] =	wrdreg s24  }
0x17: {  	s9 =	simm.s32 $0x2;
	s26 =	sadd.s32 $0xA00, s7;
	[dreg:$0x10] =	wrdreg s25  }
0x18: {  	s7 =	sadd.s32 $0xF00, s7;
	s1 =	simm.s32 $0x6C80;
	[dreg:$0x11] =	wrdreg s26  }
0x19: {  	s11 =	simm.s32 $0x0;
	s8 =	sadd.s32 s8, s10;
	[dreg:$0x12] =	wrdreg s7  }
0x1a: {  	s25 =	simm.s32 $0x6800;
	s26 =	simm.s32 $0x6A00;
	s7 =	simm.s32 $0x1  }
.Ltmp0:
0x1b: {  	s10 =	simm.s32 $0x3;
	s8 =	sadd.s32 $0x1A00, s8;
	(pc) =	sbr.rel .LBB2_1-.Ltmp0, $4  }
0x1c: {  	[dreg:$0xa] =	wrdreg s8;
	s8 =	sadd.s32 s20, s3;
	s20 =	sadd.s32 $0x58C00, s13  }
0x1d: {  	[dreg:$0xb] =	wrdreg s8;
	s8 =	sadd.s32 s22, s4;
	s22 =	smax.u32 s6, $0x1  }
0x1e: {  	s6 =	simm.s32 $0xE480;
	[dreg:$0xd] =	wrdreg s8;
	s8 =	sadd.s32 s12, s23  }
0x1f: {  	s23 =	simm.s32 $0x4;
	[dreg:$0xe] =	wrdreg s8;
	s8 =	simm.s32 $0x10C80  }
.LBB2_4:
0x20: {  	_ =	swait.ge [sflag:s7], $0x2800  }
0x21: {  	[sflag:s7] =	ssyncset.done $0x0  }
0x22: {  	[sflag:s7] =	ssyncadd.s32 $0xFFFFD800  }
0x23: {  	[spmem:s3] =	stream.indirect.scatter.add.f32 [tilespmem:s8], [sflag:$0x2], $0x80, s17, s31, $0xb8;
	[tilespmem:$0x1F480] =	vst v63  }
0x24: {  	_ =	swait.ge [sflag:s9], $0x2800  }
0x25: {  	[sflag:s9] =	ssyncset.done $0x0  }
0x26: {  	[sflag:s9] =	ssyncadd.s32 $0xFFFFD800  }
0x27: {  	_ =	swait.ge [sflag:s9], $0x2800  }
0x28: {  	[sflag:s9] =	ssyncset.done $0x0  }
0x29: {  	[sflag:s9] =	ssyncadd.s32 $0xFFFFD800  }
0x2a: {  	[tilespmem:s1], [sflag:$0x1] =	stream.indirect.gather [hbm4b:s0+s31], $0x80, s25, s31, $0xb8;
	[tilespmem:$0x1F480] =	vst v63  }
0x2b: {  	s15 =	simm.s32 $0x6880  }
0x2c: {  	[tilespmem:s2], [sflag:$0x1] =	stream.indirect.gather [hbm4b:s0+s31], $0x80, s15, s31, $0xb8;
	[tilespmem:$0x1F480] =	vst v63  }
0x2d: {  	s16 =	simm.s32 $0x6900  }
0x2e: {  	[tilespmem:s29], [sflag:$0x1] =	stream.indirect.gather [hbm4b:s0+s31], $0x80, s16, s31, $0xb8;
	[tilespmem:$0x1F480] =	vst v63  }
0x2f: {  	s17 =	simm.s32 $0x6980  }
0x30: {  	[tilespmem:s6], [sflag:$0x1] =	stream.indirect.gather [hbm4b:s0+s31], $0x80, s17, s31, $0xb8;
	[tilespmem:$0x1F480] =	vst v63  }
0x31: {  	_ =	swait.ge [sflag:s7], $0x2800  }
0x32: {  	[sflag:s7] =	ssyncset.done $0x0  }
0x33: {  	s18 =	rddreg [dreg:$0xf];
	[sflag:s7] =	ssyncadd.s32 $0xFFFFD800  }
0x34: {  	[hbm4b:s18+s5] =	stream.linear.scatter [tilespmem:s1], [sflag:$0x2], $0x2800, $0x38;
	[tilespmem:$0x1F480] =	vst v63  }
0x35: {  	_ = 	snop  }
0x36: {  	[spmem:s4] =	stream.indirect.scatter.add.f32 [tilespmem:s1], [sflag:$0x4], $0x80, s26, s31, $0xb8;
	[tilespmem:$0x1F480] =	vst v63  }
0x37: {  	_ =	swait.ge [sflag:s23], $0x2800  }
0x38: {  	[sflag:s23] =	ssyncset.done $0x0  }
0x39: {  	[sflag:s23] =	ssyncadd.s32 $0xFFFFD800  }
0x3a: {  	_ =	swait.ge [sflag:s7], $0x2800  }
0x3b: {  	[sflag:s7] =	ssyncset.done $0x0  }
0x3c: {  	s19 =	rddreg [dreg:$0x10];
	[sflag:s7] =	ssyncadd.s32 $0xFFFFD800  }
0x3d: {  	[hbm4b:s19+s5] =	stream.linear.scatter [tilespmem:s2], [sflag:$0x2], $0x2800, $0x38;
	[tilespmem:$0x1F480] =	vst v63  }
0x3e: {  	s24 =	simm.s32 $0x6A80  }
0x3f: {  	[spmem:s4] =	stream.indirect.scatter.add.f32 [tilespmem:s2], [sflag:$0x4], $0x80, s24, s31, $0xb8;
	[tilespmem:$0x1F480] =	vst v63  }
0x40: {  	_ =	swait.ge [sflag:s23], $0x2800  }
0x41: {  	[sflag:s23] =	ssyncset.done $0x0  }
0x42: {  	[sflag:s23] =	ssyncadd.s32 $0xFFFFD800  }
0x43: {  	_ =	swait.ge [sflag:s7], $0x2800  }
0x44: {  	[sflag:s7] =	ssyncset.done $0x0  }
0x45: {  	s16 =	rddreg [dreg:$0x11];
	[sflag:s7] =	ssyncadd.s32 $0xFFFFD800  }
0x46: {  	[hbm4b:s16+s5] =	stream.linear.scatter [tilespmem:s29], [sflag:$0x2], $0x2800, $0x38;
	[tilespmem:$0x1F480] =	vst v63  }
0x47: {  	s17 =	simm.s32 $0x6B00  }
0x48: {  	[spmem:s4] =	stream.indirect.scatter.add.f32 [tilespmem:s29], [sflag:$0x4], $0x80, s17, s31, $0xb8;
	[tilespmem:$0x1F480] =	vst v63  }
0x49: {  	_ =	swait.ge [sflag:s23], $0x2800  }
0x4a: {  	[sflag:s23] =	ssyncset.done $0x0  }
0x4b: {  	[sflag:s23] =	ssyncadd.s32 $0xFFFFD800  }
0x4c: {  	_ =	swait.ge [sflag:s7], $0x2800  }
0x4d: {  	[sflag:s7] =	ssyncset.done $0x0  }
0x4e: {  	s18 =	rddreg [dreg:$0x12];
	[sflag:s7] =	ssyncadd.s32 $0xFFFFD800  }
0x4f: {  	[hbm4b:s18+s5] =	stream.linear.scatter [tilespmem:s6], [sflag:$0x2], $0x2800, $0x38;
	[tilespmem:$0x1F480] =	vst v63  }
0x50: {  	s19 =	simm.s32 $0x6B80  }
0x51: {  	[spmem:s4] =	stream.indirect.scatter.add.f32 [tilespmem:s6], [sflag:$0x4], $0x80, s19, s31, $0xb8;
	[tilespmem:$0x1F480] =	vst v63  }
0x52: {  	_ =	swait.ge [sflag:s23], $0x2800  }
0x53: {  	[sflag:s23] =	ssyncset.done $0x0  }
0x54: {  	[sflag:s23] =	ssyncadd.s32 $0xFFFFD800  }
0x55: {  	_ =	swait.ge [sflag:s9], $0x2800  }
0x56: {  	[sflag:s9] =	ssyncset.done $0x0  }
0x57: {  	[sflag:s9] =	ssyncadd.s32 $0xFFFFD800  }
0x58: {  	_ =	swait.ge [sflag:s9], $0x2800  }
0x59: {  	[sflag:s9] =	ssyncset.done $0x0  }
0x5a: {  	[sflag:s9] =	ssyncadd.s32 $0xFFFFD800  }
0x5b: {  	_ =	swait.ge [sflag:s9], $0x2800  }
0x5c: {  	[sflag:s9] =	ssyncset.done $0x0  }
0x5d: {  	[sflag:s9] =	ssyncadd.s32 $0xFFFFD800  }
0x5e: {  	_ =	swait.ge [sflag:s9], $0x2800  }
0x5f: {  	[sflag:s9] =	ssyncset.done $0x0  }
0x60: {  	[sflag:s9] =	ssyncadd.s32 $0xFFFFD800  }
0x61: {  	_ =	swait.ge [sflag:s10], $0x1000  }
0x62: {  	[sflag:s10] =	ssyncset.done $0x0  }
0x63: {  	s24 =	rddreg [dreg:$0x13];
	[sflag:s10] =	ssyncadd.s32 $0xFFFFF000  }
0x64: {  	[hbm4b:s24+s5] =	stream.linear.scatter [tilespmem:s30], [sflag:$0x4], $0x1000, $0x38;
	[tilespmem:$0x1F480] =	vst v63  }
0x65: {  	_ =	swait.ge [sflag:s23], $0x1000  }
0x66: {  	[sflag:s23] =	ssyncset.done $0x0  }
0x67: {  	[sflag:s23] =	ssyncadd.s32 $0xFFFFF000  }
0x68: {  	[hbm:s20], [sflag:s12] =	dma.local [spmem:s13], $0x1400  }
0x69: {  	s11 =	sadd.s32 $0x1, s11;
	_ =	swait.ge [sflag:s23], $0x1400  }
0x6a: {  	p0 =	sne.s32 s11, s22;
	[sflag:s23] =	ssyncset.done $0x0  }
.Ltmp1:
0x6b: {  	[sflag:s23] =	ssyncadd.s32 $0xFFFFEC00;
	(pc) =	sbr.rel @!p0 .LBB2_5-.Ltmp1, $4  }
0x6c: {  	[hbm:s21], [sflag:s12] =	dma.local [spmem:s14], $0x200  }
0x6d: {  	_ =	swait.ge [sflag:s23], $0x200  }
0x6e: {  	[sflag:s23] =	ssyncset.done $0x0  }
0x6f: {  	[sflag:s23] =	ssyncadd.s32 $0xFFFFFE00  }
.LBB2_1:
0x70: {  	s12 =	rddreg [dreg:$0x6]  }
0x71: {  	[tilespmem:s5], [sflag:$0x4] =	stream.linear.gather [hbm4b:s12+s5], $0x3200, $0x38;
	[tilespmem:$0x1F480] =	vst v63  }
0x72: {  	_ =	swait.ge [sflag:s23], $0x3200  }
0x73: {  	[sflag:s23] =	ssyncset.done $0x0  }
0x74: {  	s16 =	simm.s32 $0x3400;
	s18 =	rddreg [dreg:$0x7];
	[sflag:s23] =	ssyncadd.s32 $0xFFFFCE00  }
0x75: {  	[tilespmem:s16], [sflag:$0x4] =	stream.linear.gather [hbm4b:s18+s5], $0x3200, $0x38;
	[tilespmem:$0x1F480] =	vst v63  }
0x76: {  	_ =	swait.ge [sflag:s23], $0x3200  }
0x77: {  	[sflag:s23] =	ssyncset.done $0x0  }
0x78: {  	s19 =	rddreg [dreg:$0x8];
	[sflag:s23] =	ssyncadd.s32 $0xFFFFCE00  }
0x79: {  	[tilespmem:s25], [sflag:$0x4] =	stream.linear.gather [hbm4b:s19+s5], $0x200, $0x38;
	[tilespmem:$0x1F480] =	vst v63  }
0x7a: {  	_ =	swait.ge [sflag:s23], $0x200  }
0x7b: {  	[sflag:s23] =	ssyncset.done $0x0  }
0x7c: {  	s24 =	rddreg [dreg:$0x9];
	[sflag:s23] =	ssyncadd.s32 $0xFFFFFE00  }
0x7d: {  	[tilespmem:s26], [sflag:$0x4] =	stream.linear.gather [hbm4b:s24+s5], $0x200, $0x38;
	[tilespmem:$0x1F480] =	vst v63  }
0x7e: {  	_ =	swait.ge [sflag:s23], $0x200  }
0x7f: {  	[sflag:s23] =	ssyncset.done $0x0  }
0x80: {  	s13 =	rddreg [dreg:$0xa];
	[sflag:s23] =	ssyncadd.s32 $0xFFFFFE00  }
0x81: {  	[tilespmem:s28], [sflag:$0x4] =	stream.linear.gather [hbm4b:s13+s5], $0x80, $0x38;
	[tilespmem:$0x1F480] =	vst v63  }
0x82: {  	_ =	swait.ge [sflag:s23], $0x80  }
0x83: {  	s14 =	simm.s32 $0x20;
	s15 =	stileid.u32;
	[sflag:s23] =	ssyncset.done $0x0  }
0x84: {  	s12 =	sshll.u32 s15, $0x6;
	s13 =	rddreg [dreg:$0xb];
	[sflag:s23] =	ssyncadd.s32 $0xFFFFFF80  }
0x85: {  	[tilespmem:s30], [sflag:$0x3] =	stream.indirect.gather [hbm4b:s0+s14], $0x80, s28, s14, $0xb8;
	[tilespmem:$0x1F480] =	vst v63  }
0x86: {  	s12 =	sor.u32 $0x1C04, s12;
	s13 =	sshrl.u32 s13, $0x3;
	s14 =	rddreg [dreg:$0xc]  }
0x87: {  	[spmem:s13], [sflag:s12] =	dma.local [hbm:s14], $0x1400  }
0x88: {  	_ =	swait.ge [sflag:s23], $0x1400  }
0x89: {  	[sflag:s23] =	ssyncset.done $0x0;
	s17 =	rddreg [dreg:$0xd]  }
0x8a: {  	s15 =	rddreg [dreg:$0xe];
	[sflag:s23] =	ssyncadd.s32 $0xFFFFEC00;
	s14 =	sshrl.u32 s17, $0x3  }
0x8b: {  	[spmem:s14], [sflag:s12] =	dma.local [hbm:s15], $0x200  }
0x8c: {  	_ =	swait.ge [sflag:s23], $0x200  }
0x8d: {  	[sflag:s23] =	ssyncset.done $0x0  }
0x8e: {  	[sflag:s23] =	ssyncadd.s32 $0xFFFFFE00  }
0x8f: {  	[tilespmem:s1], [sflag:$0x1] =	stream.indirect.gather [hbm4b:s0+s31], $0x80, s5, s31, $0xb8;
	[tilespmem:$0x1F480] =	vst v63  }
0x90: {  	s18 =	simm.s32 $0x80  }
0x91: {  	[tilespmem:s2], [sflag:$0x1] =	stream.indirect.gather [hbm4b:s0+s31], $0x80, s18, s31, $0xb8;
	[tilespmem:$0x1F480] =	vst v63  }
0x92: {  	s19 =	simm.s32 $0x100  }
0x93: {  	[tilespmem:s29], [sflag:$0x1] =	stream.indirect.gather [hbm4b:s0+s31], $0x80, s19, s31, $0xb8;
	[tilespmem:$0x1F480] =	vst v63  }
0x94: {  	s24 =	simm.s32 $0x180  }
0x95: {  	[tilespmem:s6], [sflag:$0x1] =	stream.indirect.gather [hbm4b:s0+s31], $0x80, s24, s31, $0xb8;
	[tilespmem:$0x1F480] =	vst v63  }
0x96: {  	_ =	swait.ge [sflag:s7], $0x2800  }
0x97: {  	[sflag:s7] =	ssyncset.done $0x0  }
0x98: {  	[sflag:s7] =	ssyncadd.s32 $0xFFFFD800  }
0x99: {  	[spmem:s3] =	stream.indirect.scatter.add.f32 [tilespmem:s1], [sflag:$0x2], $0x80, s16, s31, $0xb8;
	[tilespmem:$0x1F480] =	vst v63  }
0x9a: {  	s17 =	simm.s32 $0x200  }
0x9b: {  	[tilespmem:s8], [sflag:$0x1] =	stream.indirect.gather [hbm4b:s0+s31], $0x80, s17, s31, $0xb8;
	[tilespmem:$0x1F480] =	vst v63  }
0x9c: {  	_ =	swait.ge [sflag:s7], $0x2800  }
0x9d: {  	[sflag:s7] =	ssyncset.done $0x0  }
0x9e: {  	s18 =	simm.s32 $0x3480;
	[sflag:s7] =	ssyncadd.s32 $0xFFFFD800  }
0x9f: {  	[spmem:s3] =	stream.indirect.scatter.add.f32 [tilespmem:s2], [sflag:$0x2], $0x80, s18, s31, $0xb8;
	[tilespmem:$0x1F480] =	vst v63  }
0xa0: {  	_ =	swait.ge [sflag:s9], $0x2800  }
0xa1: {  	[sflag:s9] =	ssyncset.done $0x0  }
0xa2: {  	s19 =	simm.s32 $0x280;
	[sflag:s9] =	ssyncadd.s32 $0xFFFFD800  }
0xa3: {  	[tilespmem:s1], [sflag:$0x1] =	stream.indirect.gather [hbm4b:s0+s31], $0x80, s19, s31, $0xb8;
	[tilespmem:$0x1F480] =	vst v63  }
0xa4: {  	_ =	swait.ge [sflag:s7], $0x2800  }
0xa5: {  	[sflag:s7] =	ssyncset.done $0x0  }
0xa6: {  	s24 =	simm.s32 $0x3500;
	[sflag:s7] =	ssyncadd.s32 $0xFFFFD800  }
0xa7: {  	[spmem:s3] =	stream.indirect.scatter.add.f32 [tilespmem:s29], [sflag:$0x2], $0x80, s24, s31, $0xb8;
	[tilespmem:$0x1F480] =	vst v63  }
0xa8: {  	_ =	swait.ge [sflag:s9], $0x2800  }
0xa9: {  	[sflag:s9] =	ssyncset.done $0x0  }
0xaa: {  	s16 =	simm.s32 $0x300;
	[sflag:s9] =	ssyncadd.s32 $0xFFFFD800  }
0xab: {  	[tilespmem:s2], [sflag:$0x1] =	stream.indirect.gather [hbm4b:s0+s31], $0x80, s16, s31, $0xb8;
	[tilespmem:$0x1F480] =	vst v63  }
0xac: {  	_ =	swait.ge [sflag:s7], $0x2800  }
0xad: {  	[sflag:s7] =	ssyncset.done $0x0  }
0xae: {  	s17 =	simm.s32 $0x3580;
	[sflag:s7] =	ssyncadd.s32 $0xFFFFD800  }
0xaf: {  	[spmem:s3] =	stream.indirect.scatter.add.f32 [tilespmem:s6], [sflag:$0x2], $0x80, s17, s31, $0xb8;
	[tilespmem:$0x1F480] =	vst v63  }
0xb0: {  	_ =	swait.ge [sflag:s9], $0x2800  }
0xb1: {  	[sflag:s9] =	ssyncset.done $0x0  }
0xb2: {  	s18 =	simm.s32 $0x380;
	[sflag:s9] =	ssyncadd.s32 $0xFFFFD800  }
0xb3: {  	[tilespmem:s29], [sflag:$0x1] =	stream.indirect.gather [hbm4b:s0+s31], $0x80, s18, s31, $0xb8;
	[tilespmem:$0x1F480] =	vst v63  }
0xb4: {  	_ =	swait.ge [sflag:s7], $0x2800  }
0xb5: {  	[sflag:s7] =	ssyncset.done $0x0  }
0xb6: {  	s19 =	simm.s32 $0x3600;
	[sflag:s7] =	ssyncadd.s32 $0xFFFFD800  }
0xb7: {  	[spmem:s3] =	stream.indirect.scatter.add.f32 [tilespmem:s8], [sflag:$0x2], $0x80, s19, s31, $0xb8;
	[tilespmem:$0x1F480] =	vst v63  }
0xb8: {  	_ =	swait.ge [sflag:s9], $0x2800  }
0xb9: {  	[sflag:s9] =	ssyncset.done $0x0  }
0xba: {  	s15 =	simm.s32 $0x0;
	s24 =	simm.s32 $0x400;
	[sflag:s9] =	ssyncadd.s32 $0xFFFFD800  }
0xbb: {  	[tilespmem:s6], [sflag:$0x1] =	stream.indirect.gather [hbm4b:s0+s31], $0x80, s24, s31, $0xb8;
	[tilespmem:$0x1F480] =	vst v63  }
.LBB2_2:
0xbc: {  	_ =	swait.ge [sflag:s7], $0x2800  }
0xbd: {  	s16 =	sshra.s32 s15, $0x2;
	[sflag:s7] =	ssyncset.done $0x0  }
0xbe: {  	s17 =	sadd.s32 $0x3680, s16;
	[sflag:s7] =	ssyncadd.s32 $0xFFFFD800  }
0xbf: {  	[spmem:s3] =	stream.indirect.scatter.add.f32 [tilespmem:s1], [sflag:$0x2], $0x80, s17, s31, $0xb8;
	[tilespmem:$0x1F480] =	vst v63  }
0xc0: {  	_ =	swait.ge [sflag:s9], $0x2800  }
0xc1: {  	[sflag:s9] =	ssyncset.done $0x0  }
0xc2: {  	s18 =	sadd.s32 $0x480, s16;
	[sflag:s9] =	ssyncadd.s32 $0xFFFFD800  }
0xc3: {  	[tilespmem:s8], [sflag:$0x1] =	stream.indirect.gather [hbm4b:s0+s31], $0x80, s18, s31, $0xb8;
	[tilespmem:$0x1F480] =	vst v63  }
0xc4: {  	_ =	swait.ge [sflag:s7], $0x2800  }
0xc5: {  	[sflag:s7] =	ssyncset.done $0x0  }
0xc6: {  	s19 =	sadd.s32 $0x3700, s16;
	[sflag:s7] =	ssyncadd.s32 $0xFFFFD800  }
0xc7: {  	[spmem:s3] =	stream.indirect.scatter.add.f32 [tilespmem:s2], [sflag:$0x2], $0x80, s19, s31, $0xb8;
	[tilespmem:$0x1F480] =	vst v63  }
0xc8: {  	_ =	swait.ge [sflag:s9], $0x2800  }
0xc9: {  	p0 =	seq.s32 s15, $0xB400;
	[sflag:s9] =	ssyncset.done $0x0  }
0xca: {  	s17 =	simm.s32 @p0 $0x1;
	[sflag:s9] =	ssyncadd.s32 $0xFFFFD800  }
0xcb: {  	_ =	swait.ge @p0 [sflag:s17], $0x2800  }
0xcc: {  	[sflag:s17] =	ssyncset.done @p0 $0x0  }
0xcd: {  	[sflag:s17] =	ssyncadd.s32 @p0 $0xFFFFD800;
	s17 =	sshra.s32 @p0 s15, $0x2  }
0xce: {  	s18 =	simm.s32 @p0 $0x50;
	s19 =	simm.s32 @p0 $0xBC80;
	s17 =	sadd.s32 @p0 $0x3780, s17  }
0xcf: {  	[spmem:s3] =	stream.indirect.scatter.add.f32 @p0 [tilespmem:s19], [sflag:$0x2], $0x80, s17, s18, $0xb8;
	[tilespmem:$0x1F480] =	vst v63  }
0xd0: {  	s17 =	simm.s32 @p0 $0x2  }
0xd1: {  	_ =	swait.ge @p0 [sflag:s17], $0x2800  }
0xd2: {  	[sflag:s17] =	ssyncset.done @p0 $0x0  }
0xd3: {  	[sflag:s17] =	ssyncadd.s32 @p0 $0xFFFFD800;
	s17 =	sshra.s32 @!p0 s15, $0x2  }
0xd4: {  	s24 =	simm.s32 @!p0 $0x6C80;
	s19 =	simm.s32 @!p0 $0x50;
	s18 =	sadd.s32 @!p0 $0x500, s17  }
0xd5: {  	[tilespmem:s24], [sflag:$0x1] =	stream.indirect.gather @!p0 [hbm4b:s0+s19], $0x80, s18, s19, $0xb8;
	[tilespmem:$0x1F480] =	vst v63  }
0xd6: {  	s18 =	simm.s32 @!p0 $0x1  }
0xd7: {  	_ =	swait.ge @!p0 [sflag:s18], $0x2800  }
0xd8: {  	[sflag:s18] =	ssyncset.done @!p0 $0x0  }
0xd9: {  	s24 =	simm.s32 @!p0 $0xBC80;
	[sflag:s18] =	ssyncadd.s32 @!p0 $0xFFFFD800;
	s18 =	sadd.s32 @!p0 $0x3780, s17  }
0xda: {  	[spmem:s3] =	stream.indirect.scatter.add.f32 @!p0 [tilespmem:s24], [sflag:$0x2], $0x80, s18, s19, $0xb8;
	[tilespmem:$0x1F480] =	vst v63  }
0xdb: {  	s18 =	simm.s32 @!p0 $0x2  }
0xdc: {  	_ =	swait.ge @!p0 [sflag:s18], $0x2800  }
0xdd: {  	[sflag:s18] =	ssyncset.done @!p0 $0x0  }
0xde: {  	s17 =	sadd.s32 @!p0 $0x580, s17;
	[sflag:s18] =	ssyncadd.s32 @!p0 $0xFFFFD800;
	s18 =	simm.s32 @!p0 $0x9480  }
0xdf: {  	[tilespmem:s18], [sflag:$0x1] =	stream.indirect.gather @!p0 [hbm4b:s0+s19], $0x80, s17, s19, $0xb8;
	[tilespmem:$0x1F480] =	vst v63  }
0xe0: {  	_ =	swait.ge [sflag:s7], $0x2800  }
0xe1: {  	[sflag:s7] =	ssyncset.done $0x0  }
.Ltmp2:
0xe2: {  	s24 =	sadd.s32 $0x3800, s16;
	[sflag:s7] =	ssyncadd.s32 $0xFFFFD800;
	(pc) =	sbr.rel @p0 .LBB2_4-.Ltmp2, $4  }
0xe3: {  	[spmem:s3] =	stream.indirect.scatter.add.f32 [tilespmem:s6], [sflag:$0x2], $0x80, s24, s31, $0xb8;
	[tilespmem:$0x1F480] =	vst v63  }
0xe4: {  	_ =	swait.ge [sflag:s9], $0x2800  }
0xe5: {  	[sflag:s9] =	ssyncset.done $0x0  }
0xe6: {  	s17 =	sadd.s32 $0x3880, s16;
	[sflag:s9] =	ssyncadd.s32 $0xFFFFD800  }
0xe7: {  	s18 =	sadd.s32 $0x600, s16  }
0xe8: {  	[tilespmem:s29], [sflag:$0x1] =	stream.indirect.gather [hbm4b:s0+s31], $0x80, s18, s31, $0xb8;
	[tilespmem:$0x1F480] =	vst v63  }
0xe9: {  	_ =	swait.ge [sflag:s7], $0x2800  }
0xea: {  	[sflag:s7] =	ssyncset.done $0x0  }
0xeb: {  	[sflag:s7] =	ssyncadd.s32 $0xFFFFD800  }
0xec: {  	[spmem:s3] =	stream.indirect.scatter.add.f32 [tilespmem:s8], [sflag:$0x2], $0x80, s17, s31, $0xb8;
	[tilespmem:$0x1F480] =	vst v63  }
.Ltmp3:
0xed: {  	_ = 	snop;
	(pc) =	sbr.rel .LBB2_2-.Ltmp3, $4  }
0xee: {  	_ =	swait.ge [sflag:s9], $0x2800  }
0xef: {  	[sflag:s9] =	ssyncset.done $0x0  }
0xf0: {  	s24 =	sadd.s32 $0x680, s16;
	s15 =	sadd.s32 $0xA00, s15;
	[sflag:s9] =	ssyncadd.s32 $0xFFFFD800  }
0xf1: {  	[tilespmem:s6], [sflag:$0x1] =	stream.indirect.gather [hbm4b:s0+s31], $0x80, s24, s31, $0xb8;
	[tilespmem:$0x1F480] =	vst v63  }
.LBB2_5:
0xf2: {  	_ =	sfence.sel $0x180000  }
0xf3: {  	[bflag:$0x0] =	sbarrier.arrive $0xFFFF  }
0xf4: {  	_ =	strace $0x90000047  }
0xf5: {  	s0 =	stileid.u32;
	[bflag:$0x2] =	sbarrier.arrive $0xFFFF  }
0xf6: {  	p0 =	sne.s32 s0, $0x0;
	s0 =	rddreg [dreg:$0x5]  }
0xf7: {  	s0 =	sadd.s32 @!p0 $0x100000, s0  }
0xf8: {  	[sflag:s0] =	ssyncadd.tile.s32 @!p0 $0x1;
	_ =	shalt  }
.Lfunc_end2:
_tile_overlayer_lowered:
.L_overlay_start_2:
0xf9: {  	(tag) =	ssettag $0x2  }
0xfa: {  	s0 =	rddreg [dreg:$0x0];
	s2 =	stileid.u32  }
0xfb: {  	s1 =	rddreg [dreg:$0x1];
	p0 =	sne.s32 s2, $0x0  }
0xfc: {  	s3 =	rddreg [dreg:$0x2];
	[bflag:$0x3] =	sbarrier.arrive $0xFFFF;
	s2 =	simm.s32 @!p0 $0x1C04  }
0xfd: {  	[timem:s3], [sflag:s2] =	dma.local @!p0 [hbm:s0], s1  }
0xfe: {  	s0 =	simm.s32 @!p0 $0x4  }
0xff: {  	_ =	swait.ge @!p0 [sflag:s0], s1  }
0x100: {  	s1 =	ssub.s32 @!p0 $0x0, s1;
	[sflag:s0] =	ssyncset.done @!p0 $0x0  }
0x101: {  	[sflag:s0] =	ssyncadd.s32 @!p0 s1  }
0x102: {  	[bflag:$0x3] =	sbarrier.arrive $0xFFFF  }
0x103: {  	_ =	shalt  }

</sc_bundles>
